<compile_context>
chip_gen: v7x
topology: tpu7x:2x2x1
jax: 0.10.2.dev20260603
libtpu: 0.0.44.dev20260713+nightly
codegen_flags: <defaults>
</compile_context>

<pallas_src>
import functools

import jax
import jax.numpy as jnp
from jax import lax
from jax.experimental import pallas as pl
from jax.experimental.pallas import tpu as pltpu
from jax.experimental.pallas import tpu_sc as plsc

N = 10000
D = 128
E = 320000

NC = 2
NS = 16
CHUNK = 80
NCHUNK = E // (NC * NS * CHUNK)
NPAD = 10240
ROWS_PER_TILE = NPAD // NS
DEGW = 16

_MESH = plsc.VectorSubcoreMesh(core_axis_name="c", subcore_axis_name="s")


@functools.partial(
    pl.kernel,
    out_type=jax.ShapeDtypeStruct((NC, NPAD, D), jnp.float32),
    mesh=_MESH,
    scratch_types=[
        pltpu.VMEM((NCHUNK, CHUNK), jnp.int32),
        pltpu.VMEM((CHUNK, D), jnp.float32),
        pltpu.VMEM_SHARED((NPAD, D), jnp.float32),
    ],
)
def _sc_degree(dsts_hbm, ones_hbm, zeros_hbm, out_hbm, dst_v, ones_v, accum):
    cid = lax.axis_index("c")
    sid = lax.axis_index("s")
    rbase = sid * ROWS_PER_TILE
    pltpu.sync_copy(zeros_hbm.at[pl.ds(rbase, ROWS_PER_TILE)],
                    accum.at[pl.ds(rbase, ROWS_PER_TILE)])
    pltpu.sync_copy(dsts_hbm.at[cid, sid], dst_v)
    pltpu.sync_copy(ones_hbm, ones_v)
    plsc.subcore_barrier()

    def body(j, carry):
        pltpu.sync_copy(ones_v, accum.at[dst_v.at[j]], add=True)
        return carry

    lax.fori_loop(0, NCHUNK, body, 0)
    plsc.subcore_barrier()
    pltpu.sync_copy(accum.at[pl.ds(rbase, ROWS_PER_TILE)],
                    out_hbm.at[cid, pl.ds(rbase, ROWS_PER_TILE)])


@functools.partial(
    pl.kernel,
    out_type=jax.ShapeDtypeStruct((NC, NPAD, D), jnp.float32),
    mesh=_MESH,
    scratch_types=[
        pltpu.VMEM((NCHUNK, CHUNK), jnp.int32),
        pltpu.VMEM((NCHUNK, CHUNK), jnp.int32),
        pltpu.VMEM((CHUNK, D), jnp.float32),
        pltpu.VMEM_SHARED((NPAD, D), jnp.float32),
    ],
)
def _sc_aggregate(y_hbm, srcs_hbm, dsts_hbm, zeros_hbm, out_hbm,
                  src_v, dst_v, rows_v, accum):
    cid = lax.axis_index("c")
    sid = lax.axis_index("s")
    rbase = sid * ROWS_PER_TILE
    pltpu.sync_copy(zeros_hbm.at[pl.ds(rbase, ROWS_PER_TILE)],
                    accum.at[pl.ds(rbase, ROWS_PER_TILE)])
    pltpu.sync_copy(srcs_hbm.at[cid, sid], src_v)
    pltpu.sync_copy(dsts_hbm.at[cid, sid], dst_v)
    plsc.subcore_barrier()

    def body(j, carry):
        pltpu.sync_copy(y_hbm.at[src_v.at[j]], rows_v)
        pltpu.sync_copy(rows_v, accum.at[dst_v.at[j]], add=True)
        return carry

    lax.fori_loop(0, NCHUNK, body, 0)
    plsc.subcore_barrier()
    pltpu.sync_copy(accum.at[pl.ds(rbase, ROWS_PER_TILE)],
                    out_hbm.at[cid, pl.ds(rbase, ROWS_PER_TILE)])


def _tc_a_body(degp_ref, emb_ref, dinv_ref, y1_ref):
    deg = degp_ref[0, :N, 0:1] + degp_ref[1, :N, 0:1] + 1.0
    dinv = lax.rsqrt(deg)
    dinv_ref[...] = dinv
    y1_ref[...] = dinv * emb_ref[...]


def _tc_b_body(z1p_ref, y1_ref, dinv_ref, w1_ref, w2_ref, b1_ref, y2_ref):
    dinv = dinv_ref[...]
    p1 = dinv * (z1p_ref[0, :N] + z1p_ref[1, :N] + y1_ref[...])
    w12 = jnp.dot(w1_ref[...], w2_ref[...], preferred_element_type=jnp.float32)
    bb = jnp.dot(b1_ref[...], w2_ref[...], preferred_element_type=jnp.float32)
    x2 = jnp.dot(p1, w12, preferred_element_type=jnp.float32) + bb
    y2_ref[...] = dinv * x2


def _tc_c_body(z2p_ref, y2_ref, dinv_ref, b2_ref, gamma_ref, beta_ref, out_ref):
    h = dinv_ref[...] * (z2p_ref[0, :N] + z2p_ref[1, :N] + y2_ref[...]) + b2_ref[...]
    mean = jnp.mean(h, axis=0, keepdims=True)
    var = jnp.mean((h - mean) ** 2, axis=0, keepdims=True)
    out_ref[...] = ((h - mean) * lax.rsqrt(var + 1e-5) * gamma_ref[...]
                    + beta_ref[...])


_tc_a = pl.pallas_call(
    _tc_a_body,
    out_shape=(jax.ShapeDtypeStruct((N, 1), jnp.float32),
               jax.ShapeDtypeStruct((N, D), jnp.float32)),
)

_tc_b = pl.pallas_call(
    _tc_b_body,
    out_shape=jax.ShapeDtypeStruct((N, D), jnp.float32),
)

_tc_c = pl.pallas_call(
    _tc_c_body,
    out_shape=jax.ShapeDtypeStruct((N, D), jnp.float32),
)


def kernel(emb, edge_index, W1, b1, W2, b2, gamma, beta):
    src = edge_index[0].reshape(NC, NS, NCHUNK, CHUNK)
    dst = edge_index[1].reshape(NC, NS, NCHUNK, CHUNK)
    zeros_nd = jnp.zeros((NPAD, D), jnp.float32)
    ones_rows = jnp.ones((CHUNK, D), jnp.float32)

    degp = _sc_degree(dst, ones_rows, zeros_nd)
    dinv, y1 = _tc_a(degp, emb)
    z1p = _sc_aggregate(y1, src, dst, zeros_nd)
    y2 = _tc_b(z1p, y1, dinv, W1, W2, b1.reshape(1, 2 * D))
    z2p = _sc_aggregate(y2, src, dst, zeros_nd)
    out = _tc_c(z2p, y2, dinv, b2.reshape(1, D),
                gamma.reshape(1, D), beta.reshape(1, D))
    return out

# --- scband reference (transcript-rebuilt; emitter-appended) ---
"""Pipeline reference for scband-graph-nn-214748364910 (READ-ONLY COPY).

The authoritative reference and input builder live on the scoring server;
editing this copy changes nothing except your own understanding.
"""

import jax, jax.numpy as jnp
import numpy as np

N = 10000
D = 128
E = 320000


def setup_inputs(seed: int = 0) -> dict:
    key = jax.random.key(seed)
    k1, k2, k3, k4 = jax.random.split(key, 4)
    edge_index = jax.random.randint(k1, (2, E), 0, N, dtype=jnp.int32)
    # embedding.weight, xavier-normal style init
    emb = jax.random.normal(k2, (N, D), dtype=jnp.float32) * float(np.sqrt(2.0 / (N + D)))
    # GCNConv 1: ninp -> 2*ninp (glorot)
    W1 = jax.random.normal(k3, (D, 2 * D), dtype=jnp.float32) * float(np.sqrt(2.0 / (D + 2 * D)))
    b1 = jnp.zeros((2 * D,), dtype=jnp.float32)
    # GCNConv 2: 2*ninp -> ninp (glorot)
    W2 = jax.random.normal(k4, (2 * D, D), dtype=jnp.float32) * float(np.sqrt(2.0 / (2 * D + D)))
    b2 = jnp.zeros((D,), dtype=jnp.float32)
    # BatchNorm1d affine params
    gamma = jnp.ones((D,), dtype=jnp.float32)
    beta = jnp.zeros((D,), dtype=jnp.float32)
    return {"emb": emb, "edge_index": edge_index, "W1": W1, "b1": b1, "W2": W2, "b2": b2, "gamma": gamma, "beta": beta}


def _gcn_conv(x, edge_index, W, b):
    # GCNConv: add self-loops, symmetric normalization D^-1/2 (A+I) D^-1/2 X W + b
    n = x.shape[0]
    src = edge_index[0]
    dst = edge_index[1]
    loop = jnp.arange(n, dtype=src.dtype)
    src = jnp.concatenate([src, loop])
    dst = jnp.concatenate([dst, loop])
    deg = jnp.zeros((n,), dtype=x.dtype).at[dst].add(1.0)
    dinv = jnp.where(deg > 0, jax.lax.rsqrt(jnp.maximum(deg, 1e-12)), 0.0)
    norm = dinv[src] * dinv[dst]
    xw = x @ W
    msg = jnp.take(xw, src, axis=0) * norm[:, None]
    out = jnp.zeros((n, W.shape[1]), dtype=x.dtype).at[dst].add(msg)
    return out + b


def reference(emb, edge_index, W1, b1, W2, b2, gamma, beta):
    h = _gcn_conv(emb, edge_index, W1, b1)
    # dropout in eval mode -> identity
    h = _gcn_conv(h, edge_index, W2, b2)
    # BatchNorm1d (training-mode batch statistics, biased variance, eps=1e-5)
    mean = jnp.mean(h, axis=0)
    var = jnp.mean((h - mean) ** 2, axis=0)
    out = (h - mean) / jnp.sqrt(var + 1e-5) * gamma + beta
    return out

if __name__ == "__main__":
    import jax
    _d = setup_inputs()
    print(jax.jit(kernel)(*tuple(_d.values())))

</pallas_src>

<mosaic_0001>
#map = affine_map<(d0, d1) -> (0, 0)>
#map1 = affine_map<(d0, d1) -> (0, 0, 0, 0)>
#map2 = affine_map<(d0, d1) -> (0, 0, 0)>
module attributes {stable_mosaic.version = 14 : i64} {
  func.func @_sc_aggregate(%arg0: i32, %arg1: i32, %arg2: memref<10000x128xf32, #tpu.memory_space<hbm>>, %arg3: memref<2x16x125x80xi32, #tpu.memory_space<hbm>>, %arg4: memref<2x16x125x80xi32, #tpu.memory_space<hbm>>, %arg5: memref<10240x128xf32, #tpu.memory_space<hbm>>, %arg6: memref<2x10240x128xf32, #tpu.memory_space<hbm>>, %arg7: memref<125x80xi32, #tpu.memory_space<vmem>>, %arg8: memref<125x80xi32, #tpu.memory_space<vmem>>, %arg9: memref<80x128xf32, #tpu.memory_space<vmem>>, %arg10: memref<10240x128xf32, #tpu.memory_space<vmem_shared>>) attributes {dimension_semantics = [#tpu.dimension_semantics<core_parallel>, #tpu.dimension_semantics<subcore_parallel>], iteration_bounds = array<i64: 2, 16>, scalar_prefetch = 0 : i64, scratch_operands = 4 : i64, tpu.core_type = #tpu.core_type<sc_vector_subcore>, window_params = [{transform_indices = #map}, {transform_indices = #map1}, {transform_indices = #map1}, {transform_indices = #map}, {transform_indices = #map2}]} {
    %mul3A = arith.constant 640 : i32
    %mul3A_0 = arith.muli %arg1, %mul3A : i32
    "tpu.region"() ({
      %run_scoped3A = tpu.sem_alloc : memref<!tpu.dma_semaphore, #tpu.memory_space<semaphore_mem>>
      %dma_start3A = arith.constant 0 : i32
      %dma_start3A_7 = tpu.memref_slice %arg10[%mul3A_0, %dma_start3A] : memref<10240x128xf32, #tpu.memory_space<vmem_shared>> -> memref<640x128xf32, #tpu.memory_space<vmem_shared>>
      %dma_start3A_8 = arith.constant 0 : i32
      %dma_start3A_9 = tpu.memref_slice %arg5[%mul3A_0, %dma_start3A_8] : memref<10240x128xf32, #tpu.memory_space<hbm>> -> memref<640x128xf32, #tpu.memory_space<hbm>>
      tpu.enqueue_dma source(%dma_start3A_9 : memref<640x128xf32, #tpu.memory_space<hbm>>) target(%dma_start3A_7 : memref<640x128xf32, #tpu.memory_space<vmem_shared>>) target_semaphore(%run_scoped3A : memref<!tpu.dma_semaphore, #tpu.memory_space<semaphore_mem>>)
      %dma_wait3A = arith.constant 0 : i32
      %dma_wait3A_10 = tpu.memref_slice %arg10[%mul3A_0, %dma_wait3A] : memref<10240x128xf32, #tpu.memory_space<vmem_shared>> -> memref<640x128xf32, #tpu.memory_space<vmem_shared>>
      %dma_wait3A_11 = arith.constant 0 : i32
      %dma_wait3A_12 = tpu.memref_slice %arg5[%mul3A_0, %dma_wait3A_11] : memref<10240x128xf32, #tpu.memory_space<hbm>> -> memref<640x128xf32, #tpu.memory_space<hbm>>
      tpu.wait_dma2 semaphore(%run_scoped3A : memref<!tpu.dma_semaphore, #tpu.memory_space<semaphore_mem>>) src(%dma_wait3A_12 : memref<640x128xf32, #tpu.memory_space<hbm>>) dst(%dma_wait3A_10 : memref<640x128xf32, #tpu.memory_space<vmem_shared>>)
      tpu.yield
    }) : () -> ()
    "tpu.region"() ({
      %run_scoped3A = tpu.sem_alloc : memref<!tpu.dma_semaphore, #tpu.memory_space<semaphore_mem>>
      %dma_start3A = arith.constant 0 : i32
      %dma_start3A_7 = arith.constant 0 : i32
      %dma_start3A_8 = tpu.memref_slice %arg3[%arg0, %arg1, %dma_start3A, %dma_start3A_7] : memref<2x16x125x80xi32, #tpu.memory_space<hbm>> -> memref<1x1x125x80xi32, #tpu.memory_space<hbm>>
      %dma_start3A_9 = tpu.memref_squeeze %dma_start3A_8 : memref<1x1x125x80xi32, #tpu.memory_space<hbm>> -> memref<125x80xi32, #tpu.memory_space<hbm>>
      %dma_start3A_10 = arith.constant 0 : i32
      %dma_start3A_11 = arith.constant 0 : i32
      %dma_start3A_12 = tpu.memref_slice %arg3[%arg0, %arg1, %dma_start3A_10, %dma_start3A_11] : memref<2x16x125x80xi32, #tpu.memory_space<hbm>> -> memref<1x1x125x80xi32, #tpu.memory_space<hbm>>
      %dma_start3A_13 = tpu.memref_squeeze %dma_start3A_12 : memref<1x1x125x80xi32, #tpu.memory_space<hbm>> -> memref<125x80xi32, #tpu.memory_space<hbm>>
      tpu.enqueue_dma source(%dma_start3A_13 : memref<125x80xi32, #tpu.memory_space<hbm>>) target(%arg7 : memref<125x80xi32, #tpu.memory_space<vmem>>) target_semaphore(%run_scoped3A : memref<!tpu.dma_semaphore, #tpu.memory_space<semaphore_mem>>)
      %dma_wait3A = arith.constant 0 : i32
      %dma_wait3A_14 = arith.constant 0 : i32
      %dma_wait3A_15 = tpu.memref_slice %arg3[%arg0, %arg1, %dma_wait3A, %dma_wait3A_14] : memref<2x16x125x80xi32, #tpu.memory_space<hbm>> -> memref<1x1x125x80xi32, #tpu.memory_space<hbm>>
      %dma_wait3A_16 = tpu.memref_squeeze %dma_wait3A_15 : memref<1x1x125x80xi32, #tpu.memory_space<hbm>> -> memref<125x80xi32, #tpu.memory_space<hbm>>
      %dma_wait3A_17 = arith.constant 0 : i32
      %dma_wait3A_18 = arith.constant 0 : i32
      %dma_wait3A_19 = tpu.memref_slice %arg3[%arg0, %arg1, %dma_wait3A_17, %dma_wait3A_18] : memref<2x16x125x80xi32, #tpu.memory_space<hbm>> -> memref<1x1x125x80xi32, #tpu.memory_space<hbm>>
      %dma_wait3A_20 = tpu.memref_squeeze %dma_wait3A_19 : memref<1x1x125x80xi32, #tpu.memory_space<hbm>> -> memref<125x80xi32, #tpu.memory_space<hbm>>
      tpu.wait_dma2 semaphore(%run_scoped3A : memref<!tpu.dma_semaphore, #tpu.memory_space<semaphore_mem>>) src(%dma_wait3A_20 : memref<125x80xi32, #tpu.memory_space<hbm>>) dst(%arg7 : memref<125x80xi32, #tpu.memory_space<vmem>>)
      tpu.yield
    }) : () -> ()
    "tpu.region"() ({
      %run_scoped3A = tpu.sem_alloc : memref<!tpu.dma_semaphore, #tpu.memory_space<semaphore_mem>>
      %dma_start3A = arith.constant 0 : i32
      %dma_start3A_7 = arith.constant 0 : i32
      %dma_start3A_8 = tpu.memref_slice %arg4[%arg0, %arg1, %dma_start3A, %dma_start3A_7] : memref<2x16x125x80xi32, #tpu.memory_space<hbm>> -> memref<1x1x125x80xi32, #tpu.memory_space<hbm>>
      %dma_start3A_9 = tpu.memref_squeeze %dma_start3A_8 : memref<1x1x125x80xi32, #tpu.memory_space<hbm>> -> memref<125x80xi32, #tpu.memory_space<hbm>>
      %dma_start3A_10 = arith.constant 0 : i32
      %dma_start3A_11 = arith.constant 0 : i32
      %dma_start3A_12 = tpu.memref_slice %arg4[%arg0, %arg1, %dma_start3A_10, %dma_start3A_11] : memref<2x16x125x80xi32, #tpu.memory_space<hbm>> -> memref<1x1x125x80xi32, #tpu.memory_space<hbm>>
      %dma_start3A_13 = tpu.memref_squeeze %dma_start3A_12 : memref<1x1x125x80xi32, #tpu.memory_space<hbm>> -> memref<125x80xi32, #tpu.memory_space<hbm>>
      tpu.enqueue_dma source(%dma_start3A_13 : memref<125x80xi32, #tpu.memory_space<hbm>>) target(%arg8 : memref<125x80xi32, #tpu.memory_space<vmem>>) target_semaphore(%run_scoped3A : memref<!tpu.dma_semaphore, #tpu.memory_space<semaphore_mem>>)
      %dma_wait3A = arith.constant 0 : i32
      %dma_wait3A_14 = arith.constant 0 : i32
      %dma_wait3A_15 = tpu.memref_slice %arg4[%arg0, %arg1, %dma_wait3A, %dma_wait3A_14] : memref<2x16x125x80xi32, #tpu.memory_space<hbm>> -> memref<1x1x125x80xi32, #tpu.memory_space<hbm>>
      %dma_wait3A_16 = tpu.memref_squeeze %dma_wait3A_15 : memref<1x1x125x80xi32, #tpu.memory_space<hbm>> -> memref<125x80xi32, #tpu.memory_space<hbm>>
      %dma_wait3A_17 = arith.constant 0 : i32
      %dma_wait3A_18 = arith.constant 0 : i32
      %dma_wait3A_19 = tpu.memref_slice %arg4[%arg0, %arg1, %dma_wait3A_17, %dma_wait3A_18] : memref<2x16x125x80xi32, #tpu.memory_space<hbm>> -> memref<1x1x125x80xi32, #tpu.memory_space<hbm>>
      %dma_wait3A_20 = tpu.memref_squeeze %dma_wait3A_19 : memref<1x1x125x80xi32, #tpu.memory_space<hbm>> -> memref<125x80xi32, #tpu.memory_space<hbm>>
      tpu.wait_dma2 semaphore(%run_scoped3A : memref<!tpu.dma_semaphore, #tpu.memory_space<semaphore_mem>>) src(%dma_wait3A_20 : memref<125x80xi32, #tpu.memory_space<hbm>>) dst(%arg8 : memref<125x80xi32, #tpu.memory_space<vmem>>)
      tpu.yield
    }) : () -> ()
    %barrier3A = arith.constant 0 : index
    tpu.barrier barrier_id(%barrier3A)
    %scan3A = arith.constant 0 : i32
    %scan3A_1 = arith.constant 0 : i32
    %scan3A_2 = arith.constant 125 : i32
    %scan3A_3 = arith.addi %scan3A_1, %scan3A_2 : i32
    %scan3A_4 = arith.constant 1 : i32
    scf.for %scan3A_7 = %scan3A_1 to %scan3A_3 step %scan3A_4  : i32 {
      "tpu.region"() ({
        %run_scoped3A = tpu.sem_alloc : memref<!tpu.dma_semaphore, #tpu.memory_space<semaphore_mem>>
        %dma_start3A = arith.constant 0 : i32
        %dma_start3A_8 = tpu.memref_slice %arg7[%scan3A_7, %dma_start3A] : memref<125x80xi32, #tpu.memory_space<vmem>> -> memref<1x80xi32, #tpu.memory_space<vmem>>
        %dma_start3A_9 = tpu.memref_squeeze %dma_start3A_8 : memref<1x80xi32, #tpu.memory_space<vmem>> -> memref<80xi32, #tpu.memory_space<vmem>>
        %dma_start3A_10 = arith.constant 0 : i32
        %dma_start3A_11 = arith.constant 0 : i32
        %dma_start3A_12 = tpu.memref_slice %arg2[%dma_start3A_10, %dma_start3A_11] : memref<10000x128xf32, #tpu.memory_space<hbm>> -> memref<10000x128xf32, #tpu.memory_space<hbm>>
        tpu.enqueue_indirect_dma source(%dma_start3A_12 : memref<10000x128xf32, #tpu.memory_space<hbm>>) target(%arg9 : memref<80x128xf32, #tpu.memory_space<vmem>>) offsets(%dma_start3A_9 : memref<80xi32, #tpu.memory_space<vmem>>) semaphore(%run_scoped3A : memref<!tpu.dma_semaphore, #tpu.memory_space<semaphore_mem>>)
        %dma_wait3A = arith.constant 0 : i32
        %dma_wait3A_13 = tpu.memref_slice %arg7[%scan3A_7, %dma_wait3A] : memref<125x80xi32, #tpu.memory_space<vmem>> -> memref<1x80xi32, #tpu.memory_space<vmem>>
        %dma_wait3A_14 = tpu.memref_squeeze %dma_wait3A_13 : memref<1x80xi32, #tpu.memory_space<vmem>> -> memref<80xi32, #tpu.memory_space<vmem>>
        %dma_wait3A_15 = arith.constant 0 : i32
        %dma_wait3A_16 = arith.constant 0 : i32
        %dma_wait3A_17 = tpu.memref_slice %arg2[%dma_wait3A_15, %dma_wait3A_16] : memref<10000x128xf32, #tpu.memory_space<hbm>> -> memref<10000x128xf32, #tpu.memory_space<hbm>>
        tpu.wait_indirect_dma semaphore(%run_scoped3A : memref<!tpu.dma_semaphore, #tpu.memory_space<semaphore_mem>>) src(%dma_wait3A_17 : memref<10000x128xf32, #tpu.memory_space<hbm>>) dst(%arg9 : memref<80x128xf32, #tpu.memory_space<vmem>>)
        tpu.yield
      }) : () -> ()
      "tpu.region"() ({
        %run_scoped3A = tpu.sem_alloc : memref<!tpu.dma_semaphore, #tpu.memory_space<semaphore_mem>>
        %dma_start3A = arith.constant 0 : i32
        %dma_start3A_8 = tpu.memref_slice %arg8[%scan3A_7, %dma_start3A] : memref<125x80xi32, #tpu.memory_space<vmem>> -> memref<1x80xi32, #tpu.memory_space<vmem>>
        %dma_start3A_9 = tpu.memref_squeeze %dma_start3A_8 : memref<1x80xi32, #tpu.memory_space<vmem>> -> memref<80xi32, #tpu.memory_space<vmem>>
        %dma_start3A_10 = arith.constant 0 : i32
        %dma_start3A_11 = arith.constant 0 : i32
        %dma_start3A_12 = tpu.memref_slice %arg10[%dma_start3A_10, %dma_start3A_11] : memref<10240x128xf32, #tpu.memory_space<vmem_shared>> -> memref<10240x128xf32, #tpu.memory_space<vmem_shared>>
        tpu.enqueue_indirect_dma source(%arg9 : memref<80x128xf32, #tpu.memory_space<vmem>>) target(%dma_start3A_12 : memref<10240x128xf32, #tpu.memory_space<vmem_shared>>) offsets(%dma_start3A_9 : memref<80xi32, #tpu.memory_space<vmem>>) semaphore(%run_scoped3A : memref<!tpu.dma_semaphore, #tpu.memory_space<semaphore_mem>>) {add = true}
        %dma_wait3A = arith.constant 0 : i32
        %dma_wait3A_13 = tpu.memref_slice %arg8[%scan3A_7, %dma_wait3A] : memref<125x80xi32, #tpu.memory_space<vmem>> -> memref<1x80xi32, #tpu.memory_space<vmem>>
        %dma_wait3A_14 = tpu.memref_squeeze %dma_wait3A_13 : memref<1x80xi32, #tpu.memory_space<vmem>> -> memref<80xi32, #tpu.memory_space<vmem>>
        %dma_wait3A_15 = arith.constant 0 : i32
        %dma_wait3A_16 = arith.constant 0 : i32
        %dma_wait3A_17 = tpu.memref_slice %arg10[%dma_wait3A_15, %dma_wait3A_16] : memref<10240x128xf32, #tpu.memory_space<vmem_shared>> -> memref<10240x128xf32, #tpu.memory_space<vmem_shared>>
        tpu.wait_indirect_dma semaphore(%run_scoped3A : memref<!tpu.dma_semaphore, #tpu.memory_space<semaphore_mem>>) src(%arg9 : memref<80x128xf32, #tpu.memory_space<vmem>>) dst(%dma_wait3A_17 : memref<10240x128xf32, #tpu.memory_space<vmem_shared>>)
        tpu.yield
      }) : () -> ()
    }
    %scan3A_5 = arith.constant 125 : i32
    %barrier3A_6 = arith.constant 0 : index
    tpu.barrier barrier_id(%barrier3A_6)
    "tpu.region"() ({
      %run_scoped3A = tpu.sem_alloc : memref<!tpu.dma_semaphore, #tpu.memory_space<semaphore_mem>>
      %dma_start3A = arith.constant 0 : i32
      %dma_start3A_7 = tpu.memref_slice %arg6[%arg0, %mul3A_0, %dma_start3A] : memref<2x10240x128xf32, #tpu.memory_space<hbm>> -> memref<1x640x128xf32, #tpu.memory_space<hbm>>
      %dma_start3A_8 = tpu.memref_squeeze %dma_start3A_7 : memref<1x640x128xf32, #tpu.memory_space<hbm>> -> memref<640x128xf32, #tpu.memory_space<hbm>>
      %dma_start3A_9 = arith.constant 0 : i32
      %dma_start3A_10 = tpu.memref_slice %arg10[%mul3A_0, %dma_start3A_9] : memref<10240x128xf32, #tpu.memory_space<vmem_shared>> -> memref<640x128xf32, #tpu.memory_space<vmem_shared>>
      tpu.enqueue_dma source(%dma_start3A_10 : memref<640x128xf32, #tpu.memory_space<vmem_shared>>) target(%dma_start3A_8 : memref<640x128xf32, #tpu.memory_space<hbm>>) target_semaphore(%run_scoped3A : memref<!tpu.dma_semaphore, #tpu.memory_space<semaphore_mem>>)
      %dma_wait3A = arith.constant 0 : i32
      %dma_wait3A_11 = tpu.memref_slice %arg6[%arg0, %mul3A_0, %dma_wait3A] : memref<2x10240x128xf32, #tpu.memory_space<hbm>> -> memref<1x640x128xf32, #tpu.memory_space<hbm>>
      %dma_wait3A_12 = tpu.memref_squeeze %dma_wait3A_11 : memref<1x640x128xf32, #tpu.memory_space<hbm>> -> memref<640x128xf32, #tpu.memory_space<hbm>>
      %dma_wait3A_13 = arith.constant 0 : i32
      %dma_wait3A_14 = tpu.memref_slice %arg10[%mul3A_0, %dma_wait3A_13] : memref<10240x128xf32, #tpu.memory_space<vmem_shared>> -> memref<640x128xf32, #tpu.memory_space<vmem_shared>>
      tpu.wait_dma2 semaphore(%run_scoped3A : memref<!tpu.dma_semaphore, #tpu.memory_space<semaphore_mem>>) src(%dma_wait3A_14 : memref<640x128xf32, #tpu.memory_space<vmem_shared>>) dst(%dma_wait3A_12 : memref<640x128xf32, #tpu.memory_space<hbm>>)
      tpu.yield
    }) : () -> ()
    return
  }
}

#map = affine_map<(d0, d1) -> (0, 0, 0, 0)>
#map1 = affine_map<(d0, d1) -> (0, 0)>
#map2 = affine_map<(d0, d1) -> (0, 0, 0)>
module attributes {stable_mosaic.version = 14 : i64} {
  func.func @_sc_degree(%arg0: i32, %arg1: i32, %arg2: memref<2x16x125x80xi32, #tpu.memory_space<hbm>>, %arg3: memref<80x128xf32, #tpu.memory_space<hbm>>, %arg4: memref<10240x128xf32, #tpu.memory_space<hbm>>, %arg5: memref<2x10240x128xf32, #tpu.memory_space<hbm>>, %arg6: memref<125x80xi32, #tpu.memory_space<vmem>>, %arg7: memref<80x128xf32, #tpu.memory_space<vmem>>, %arg8: memref<10240x128xf32, #tpu.memory_space<vmem_shared>>) attributes {dimension_semantics = [#tpu.dimension_semantics<core_parallel>, #tpu.dimension_semantics<subcore_parallel>], iteration_bounds = array<i64: 2, 16>, scalar_prefetch = 0 : i64, scratch_operands = 3 : i64, tpu.core_type = #tpu.core_type<sc_vector_subcore>, window_params = [{transform_indices = #map}, {transform_indices = #map1}, {transform_indices = #map1}, {transform_indices = #map2}]} {
    %mul3A = arith.constant 640 : i32
    %mul3A_0 = arith.muli %arg1, %mul3A : i32
    "tpu.region"() ({
      %run_scoped3A = tpu.sem_alloc : memref<!tpu.dma_semaphore, #tpu.memory_space<semaphore_mem>>
      %dma_start3A = arith.constant 0 : i32
      %dma_start3A_7 = tpu.memref_slice %arg8[%mul3A_0, %dma_start3A] : memref<10240x128xf32, #tpu.memory_space<vmem_shared>> -> memref<640x128xf32, #tpu.memory_space<vmem_shared>>
      %dma_start3A_8 = arith.constant 0 : i32
      %dma_start3A_9 = tpu.memref_slice %arg4[%mul3A_0, %dma_start3A_8] : memref<10240x128xf32, #tpu.memory_space<hbm>> -> memref<640x128xf32, #tpu.memory_space<hbm>>
      tpu.enqueue_dma source(%dma_start3A_9 : memref<640x128xf32, #tpu.memory_space<hbm>>) target(%dma_start3A_7 : memref<640x128xf32, #tpu.memory_space<vmem_shared>>) target_semaphore(%run_scoped3A : memref<!tpu.dma_semaphore, #tpu.memory_space<semaphore_mem>>)
      %dma_wait3A = arith.constant 0 : i32
      %dma_wait3A_10 = tpu.memref_slice %arg8[%mul3A_0, %dma_wait3A] : memref<10240x128xf32, #tpu.memory_space<vmem_shared>> -> memref<640x128xf32, #tpu.memory_space<vmem_shared>>
      %dma_wait3A_11 = arith.constant 0 : i32
      %dma_wait3A_12 = tpu.memref_slice %arg4[%mul3A_0, %dma_wait3A_11] : memref<10240x128xf32, #tpu.memory_space<hbm>> -> memref<640x128xf32, #tpu.memory_space<hbm>>
      tpu.wait_dma2 semaphore(%run_scoped3A : memref<!tpu.dma_semaphore, #tpu.memory_space<semaphore_mem>>) src(%dma_wait3A_12 : memref<640x128xf32, #tpu.memory_space<hbm>>) dst(%dma_wait3A_10 : memref<640x128xf32, #tpu.memory_space<vmem_shared>>)
      tpu.yield
    }) : () -> ()
    "tpu.region"() ({
      %run_scoped3A = tpu.sem_alloc : memref<!tpu.dma_semaphore, #tpu.memory_space<semaphore_mem>>
      %dma_start3A = arith.constant 0 : i32
      %dma_start3A_7 = arith.constant 0 : i32
      %dma_start3A_8 = tpu.memref_slice %arg2[%arg0, %arg1, %dma_start3A, %dma_start3A_7] : memref<2x16x125x80xi32, #tpu.memory_space<hbm>> -> memref<1x1x125x80xi32, #tpu.memory_space<hbm>>
      %dma_start3A_9 = tpu.memref_squeeze %dma_start3A_8 : memref<1x1x125x80xi32, #tpu.memory_space<hbm>> -> memref<125x80xi32, #tpu.memory_space<hbm>>
      %dma_start3A_10 = arith.constant 0 : i32
      %dma_start3A_11 = arith.constant 0 : i32
      %dma_start3A_12 = tpu.memref_slice %arg2[%arg0, %arg1, %dma_start3A_10, %dma_start3A_11] : memref<2x16x125x80xi32, #tpu.memory_space<hbm>> -> memref<1x1x125x80xi32, #tpu.memory_space<hbm>>
      %dma_start3A_13 = tpu.memref_squeeze %dma_start3A_12 : memref<1x1x125x80xi32, #tpu.memory_space<hbm>> -> memref<125x80xi32, #tpu.memory_space<hbm>>
      tpu.enqueue_dma source(%dma_start3A_13 : memref<125x80xi32, #tpu.memory_space<hbm>>) target(%arg6 : memref<125x80xi32, #tpu.memory_space<vmem>>) target_semaphore(%run_scoped3A : memref<!tpu.dma_semaphore, #tpu.memory_space<semaphore_mem>>)
      %dma_wait3A = arith.constant 0 : i32
      %dma_wait3A_14 = arith.constant 0 : i32
      %dma_wait3A_15 = tpu.memref_slice %arg2[%arg0, %arg1, %dma_wait3A, %dma_wait3A_14] : memref<2x16x125x80xi32, #tpu.memory_space<hbm>> -> memref<1x1x125x80xi32, #tpu.memory_space<hbm>>
      %dma_wait3A_16 = tpu.memref_squeeze %dma_wait3A_15 : memref<1x1x125x80xi32, #tpu.memory_space<hbm>> -> memref<125x80xi32, #tpu.memory_space<hbm>>
      %dma_wait3A_17 = arith.constant 0 : i32
      %dma_wait3A_18 = arith.constant 0 : i32
      %dma_wait3A_19 = tpu.memref_slice %arg2[%arg0, %arg1, %dma_wait3A_17, %dma_wait3A_18] : memref<2x16x125x80xi32, #tpu.memory_space<hbm>> -> memref<1x1x125x80xi32, #tpu.memory_space<hbm>>
      %dma_wait3A_20 = tpu.memref_squeeze %dma_wait3A_19 : memref<1x1x125x80xi32, #tpu.memory_space<hbm>> -> memref<125x80xi32, #tpu.memory_space<hbm>>
      tpu.wait_dma2 semaphore(%run_scoped3A : memref<!tpu.dma_semaphore, #tpu.memory_space<semaphore_mem>>) src(%dma_wait3A_20 : memref<125x80xi32, #tpu.memory_space<hbm>>) dst(%arg6 : memref<125x80xi32, #tpu.memory_space<vmem>>)
      tpu.yield
    }) : () -> ()
    "tpu.region"() ({
      %run_scoped3A = tpu.sem_alloc : memref<!tpu.dma_semaphore, #tpu.memory_space<semaphore_mem>>
      tpu.enqueue_dma source(%arg3 : memref<80x128xf32, #tpu.memory_space<hbm>>) target(%arg7 : memref<80x128xf32, #tpu.memory_space<vmem>>) target_semaphore(%run_scoped3A : memref<!tpu.dma_semaphore, #tpu.memory_space<semaphore_mem>>)
      tpu.wait_dma2 semaphore(%run_scoped3A : memref<!tpu.dma_semaphore, #tpu.memory_space<semaphore_mem>>) src(%arg3 : memref<80x128xf32, #tpu.memory_space<hbm>>) dst(%arg7 : memref<80x128xf32, #tpu.memory_space<vmem>>)
      tpu.yield
    }) : () -> ()
    %barrier3A = arith.constant 0 : index
    tpu.barrier barrier_id(%barrier3A)
    %scan3A = arith.constant 0 : i32
    %scan3A_1 = arith.constant 0 : i32
    %scan3A_2 = arith.constant 125 : i32
    %scan3A_3 = arith.addi %scan3A_1, %scan3A_2 : i32
    %scan3A_4 = arith.constant 1 : i32
    scf.for %scan3A_7 = %scan3A_1 to %scan3A_3 step %scan3A_4  : i32 {
      "tpu.region"() ({
        %run_scoped3A = tpu.sem_alloc : memref<!tpu.dma_semaphore, #tpu.memory_space<semaphore_mem>>
        %dma_start3A = arith.constant 0 : i32
        %dma_start3A_8 = tpu.memref_slice %arg6[%scan3A_7, %dma_start3A] : memref<125x80xi32, #tpu.memory_space<vmem>> -> memref<1x80xi32, #tpu.memory_space<vmem>>
        %dma_start3A_9 = tpu.memref_squeeze %dma_start3A_8 : memref<1x80xi32, #tpu.memory_space<vmem>> -> memref<80xi32, #tpu.memory_space<vmem>>
        %dma_start3A_10 = arith.constant 0 : i32
        %dma_start3A_11 = arith.constant 0 : i32
        %dma_start3A_12 = tpu.memref_slice %arg8[%dma_start3A_10, %dma_start3A_11] : memref<10240x128xf32, #tpu.memory_space<vmem_shared>> -> memref<10240x128xf32, #tpu.memory_space<vmem_shared>>
        tpu.enqueue_indirect_dma source(%arg7 : memref<80x128xf32, #tpu.memory_space<vmem>>) target(%dma_start3A_12 : memref<10240x128xf32, #tpu.memory_space<vmem_shared>>) offsets(%dma_start3A_9 : memref<80xi32, #tpu.memory_space<vmem>>) semaphore(%run_scoped3A : memref<!tpu.dma_semaphore, #tpu.memory_space<semaphore_mem>>) {add = true}
        %dma_wait3A = arith.constant 0 : i32
        %dma_wait3A_13 = tpu.memref_slice %arg6[%scan3A_7, %dma_wait3A] : memref<125x80xi32, #tpu.memory_space<vmem>> -> memref<1x80xi32, #tpu.memory_space<vmem>>
        %dma_wait3A_14 = tpu.memref_squeeze %dma_wait3A_13 : memref<1x80xi32, #tpu.memory_space<vmem>> -> memref<80xi32, #tpu.memory_space<vmem>>
        %dma_wait3A_15 = arith.constant 0 : i32
        %dma_wait3A_16 = arith.constant 0 : i32
        %dma_wait3A_17 = tpu.memref_slice %arg8[%dma_wait3A_15, %dma_wait3A_16] : memref<10240x128xf32, #tpu.memory_space<vmem_shared>> -> memref<10240x128xf32, #tpu.memory_space<vmem_shared>>
        tpu.wait_indirect_dma semaphore(%run_scoped3A : memref<!tpu.dma_semaphore, #tpu.memory_space<semaphore_mem>>) src(%arg7 : memref<80x128xf32, #tpu.memory_space<vmem>>) dst(%dma_wait3A_17 : memref<10240x128xf32, #tpu.memory_space<vmem_shared>>)
        tpu.yield
      }) : () -> ()
    }
    %scan3A_5 = arith.constant 125 : i32
    %barrier3A_6 = arith.constant 0 : index
    tpu.barrier barrier_id(%barrier3A_6)
    "tpu.region"() ({
      %run_scoped3A = tpu.sem_alloc : memref<!tpu.dma_semaphore, #tpu.memory_space<semaphore_mem>>
      %dma_start3A = arith.constant 0 : i32
      %dma_start3A_7 = tpu.memref_slice %arg5[%arg0, %mul3A_0, %dma_start3A] : memref<2x10240x128xf32, #tpu.memory_space<hbm>> -> memref<1x640x128xf32, #tpu.memory_space<hbm>>
      %dma_start3A_8 = tpu.memref_squeeze %dma_start3A_7 : memref<1x640x128xf32, #tpu.memory_space<hbm>> -> memref<640x128xf32, #tpu.memory_space<hbm>>
      %dma_start3A_9 = arith.constant 0 : i32
      %dma_start3A_10 = tpu.memref_slice %arg8[%mul3A_0, %dma_start3A_9] : memref<10240x128xf32, #tpu.memory_space<vmem_shared>> -> memref<640x128xf32, #tpu.memory_space<vmem_shared>>
      tpu.enqueue_dma source(%dma_start3A_10 : memref<640x128xf32, #tpu.memory_space<vmem_shared>>) target(%dma_start3A_8 : memref<640x128xf32, #tpu.memory_space<hbm>>) target_semaphore(%run_scoped3A : memref<!tpu.dma_semaphore, #tpu.memory_space<semaphore_mem>>)
      %dma_wait3A = arith.constant 0 : i32
      %dma_wait3A_11 = tpu.memref_slice %arg5[%arg0, %mul3A_0, %dma_wait3A] : memref<2x10240x128xf32, #tpu.memory_space<hbm>> -> memref<1x640x128xf32, #tpu.memory_space<hbm>>
      %dma_wait3A_12 = tpu.memref_squeeze %dma_wait3A_11 : memref<1x640x128xf32, #tpu.memory_space<hbm>> -> memref<640x128xf32, #tpu.memory_space<hbm>>
      %dma_wait3A_13 = arith.constant 0 : i32
      %dma_wait3A_14 = tpu.memref_slice %arg8[%mul3A_0, %dma_wait3A_13] : memref<10240x128xf32, #tpu.memory_space<vmem_shared>> -> memref<640x128xf32, #tpu.memory_space<vmem_shared>>
      tpu.wait_dma2 semaphore(%run_scoped3A : memref<!tpu.dma_semaphore, #tpu.memory_space<semaphore_mem>>) src(%dma_wait3A_14 : memref<640x128xf32, #tpu.memory_space<vmem_shared>>) dst(%dma_wait3A_12 : memref<640x128xf32, #tpu.memory_space<hbm>>)
      tpu.yield
    }) : () -> ()
    return
  }
}

#map = affine_map<(d0, d1) -> (0, 0)>
#map1 = affine_map<(d0, d1) -> (0, 0, 0, 0)>
#map2 = affine_map<(d0, d1) -> (0, 0, 0)>
module attributes {stable_mosaic.version = 14 : i64} {
  func.func @_sc_aggregate(%arg0: i32, %arg1: i32, %arg2: memref<10000x128xf32, #tpu.memory_space<hbm>>, %arg3: memref<2x16x125x80xi32, #tpu.memory_space<hbm>>, %arg4: memref<2x16x125x80xi32, #tpu.memory_space<hbm>>, %arg5: memref<10240x128xf32, #tpu.memory_space<hbm>>, %arg6: memref<2x10240x128xf32, #tpu.memory_space<hbm>>, %arg7: memref<125x80xi32, #tpu.memory_space<vmem>>, %arg8: memref<125x80xi32, #tpu.memory_space<vmem>>, %arg9: memref<80x128xf32, #tpu.memory_space<vmem>>, %arg10: memref<10240x128xf32, #tpu.memory_space<vmem_shared>>) attributes {dimension_semantics = [#tpu.dimension_semantics<core_parallel>, #tpu.dimension_semantics<subcore_parallel>], iteration_bounds = array<i64: 2, 16>, scalar_prefetch = 0 : i64, scratch_operands = 4 : i64, tpu.core_type = #tpu.core_type<sc_vector_subcore>, window_params = [{transform_indices = #map}, {transform_indices = #map1}, {transform_indices = #map1}, {transform_indices = #map}, {transform_indices = #map2}]} {
    %mul3A = arith.constant 640 : i32
    %mul3A_0 = arith.muli %arg1, %mul3A : i32
    "tpu.region"() ({
      %run_scoped3A = tpu.sem_alloc : memref<!tpu.dma_semaphore, #tpu.memory_space<semaphore_mem>>
      %dma_start3A = arith.constant 0 : i32
      %dma_start3A_7 = tpu.memref_slice %arg10[%mul3A_0, %dma_start3A] : memref<10240x128xf32, #tpu.memory_space<vmem_shared>> -> memref<640x128xf32, #tpu.memory_space<vmem_shared>>
      %dma_start3A_8 = arith.constant 0 : i32
      %dma_start3A_9 = tpu.memref_slice %arg5[%mul3A_0, %dma_start3A_8] : memref<10240x128xf32, #tpu.memory_space<hbm>> -> memref<640x128xf32, #tpu.memory_space<hbm>>
      tpu.enqueue_dma source(%dma_start3A_9 : memref<640x128xf32, #tpu.memory_space<hbm>>) target(%dma_start3A_7 : memref<640x128xf32, #tpu.memory_space<vmem_shared>>) target_semaphore(%run_scoped3A : memref<!tpu.dma_semaphore, #tpu.memory_space<semaphore_mem>>)
      %dma_wait3A = arith.constant 0 : i32
      %dma_wait3A_10 = tpu.memref_slice %arg10[%mul3A_0, %dma_wait3A] : memref<10240x128xf32, #tpu.memory_space<vmem_shared>> -> memref<640x128xf32, #tpu.memory_space<vmem_shared>>
      %dma_wait3A_11 = arith.constant 0 : i32
      %dma_wait3A_12 = tpu.memref_slice %arg5[%mul3A_0, %dma_wait3A_11] : memref<10240x128xf32, #tpu.memory_space<hbm>> -> memref<640x128xf32, #tpu.memory_space<hbm>>
      tpu.wait_dma2 semaphore(%run_scoped3A : memref<!tpu.dma_semaphore, #tpu.memory_space<semaphore_mem>>) src(%dma_wait3A_12 : memref<640x128xf32, #tpu.memory_space<hbm>>) dst(%dma_wait3A_10 : memref<640x128xf32, #tpu.memory_space<vmem_shared>>)
      tpu.yield
    }) : () -> ()
    "tpu.region"() ({
      %run_scoped3A = tpu.sem_alloc : memref<!tpu.dma_semaphore, #tpu.memory_space<semaphore_mem>>
      %dma_start3A = arith.constant 0 : i32
      %dma_start3A_7 = arith.constant 0 : i32
      %dma_start3A_8 = tpu.memref_slice %arg3[%arg0, %arg1, %dma_start3A, %dma_start3A_7] : memref<2x16x125x80xi32, #tpu.memory_space<hbm>> -> memref<1x1x125x80xi32, #tpu.memory_space<hbm>>
      %dma_start3A_9 = tpu.memref_squeeze %dma_start3A_8 : memref<1x1x125x80xi32, #tpu.memory_space<hbm>> -> memref<125x80xi32, #tpu.memory_space<hbm>>
      %dma_start3A_10 = arith.constant 0 : i32
      %dma_start3A_11 = arith.constant 0 : i32
      %dma_start3A_12 = tpu.memref_slice %arg3[%arg0, %arg1, %dma_start3A_10, %dma_start3A_11] : memref<2x16x125x80xi32, #tpu.memory_space<hbm>> -> memref<1x1x125x80xi32, #tpu.memory_space<hbm>>
      %dma_start3A_13 = tpu.memref_squeeze %dma_start3A_12 : memref<1x1x125x80xi32, #tpu.memory_space<hbm>> -> memref<125x80xi32, #tpu.memory_space<hbm>>
      tpu.enqueue_dma source(%dma_start3A_13 : memref<125x80xi32, #tpu.memory_space<hbm>>) target(%arg7 : memref<125x80xi32, #tpu.memory_space<vmem>>) target_semaphore(%run_scoped3A : memref<!tpu.dma_semaphore, #tpu.memory_space<semaphore_mem>>)
      %dma_wait3A = arith.constant 0 : i32
      %dma_wait3A_14 = arith.constant 0 : i32
      %dma_wait3A_15 = tpu.memref_slice %arg3[%arg0, %arg1, %dma_wait3A, %dma_wait3A_14] : memref<2x16x125x80xi32, #tpu.memory_space<hbm>> -> memref<1x1x125x80xi32, #tpu.memory_space<hbm>>
      %dma_wait3A_16 = tpu.memref_squeeze %dma_wait3A_15 : memref<1x1x125x80xi32, #tpu.memory_space<hbm>> -> memref<125x80xi32, #tpu.memory_space<hbm>>
      %dma_wait3A_17 = arith.constant 0 : i32
      %dma_wait3A_18 = arith.constant 0 : i32
      %dma_wait3A_19 = tpu.memref_slice %arg3[%arg0, %arg1, %dma_wait3A_17, %dma_wait3A_18] : memref<2x16x125x80xi32, #tpu.memory_space<hbm>> -> memref<1x1x125x80xi32, #tpu.memory_space<hbm>>
      %dma_wait3A_20 = tpu.memref_squeeze %dma_wait3A_19 : memref<1x1x125x80xi32, #tpu.memory_space<hbm>> -> memref<125x80xi32, #tpu.memory_space<hbm>>
      tpu.wait_dma2 semaphore(%run_scoped3A : memref<!tpu.dma_semaphore, #tpu.memory_space<semaphore_mem>>) src(%dma_wait3A_20 : memref<125x80xi32, #tpu.memory_space<hbm>>) dst(%arg7 : memref<125x80xi32, #tpu.memory_space<vmem>>)
      tpu.yield
    }) : () -> ()
    "tpu.region"() ({
      %run_scoped3A = tpu.sem_alloc : memref<!tpu.dma_semaphore, #tpu.memory_space<semaphore_mem>>
      %dma_start3A = arith.constant 0 : i32
      %dma_start3A_7 = arith.constant 0 : i32
      %dma_start3A_8 = tpu.memref_slice %arg4[%arg0, %arg1, %dma_start3A, %dma_start3A_7] : memref<2x16x125x80xi32, #tpu.memory_space<hbm>> -> memref<1x1x125x80xi32, #tpu.memory_space<hbm>>
      %dma_start3A_9 = tpu.memref_squeeze %dma_start3A_8 : memref<1x1x125x80xi32, #tpu.memory_space<hbm>> -> memref<125x80xi32, #tpu.memory_space<hbm>>
      %dma_start3A_10 = arith.constant 0 : i32
      %dma_start3A_11 = arith.constant 0 : i32
      %dma_start3A_12 = tpu.memref_slice %arg4[%arg0, %arg1, %dma_start3A_10, %dma_start3A_11] : memref<2x16x125x80xi32, #tpu.memory_space<hbm>> -> memref<1x1x125x80xi32, #tpu.memory_space<hbm>>
      %dma_start3A_13 = tpu.memref_squeeze %dma_start3A_12 : memref<1x1x125x80xi32, #tpu.memory_space<hbm>> -> memref<125x80xi32, #tpu.memory_space<hbm>>
      tpu.enqueue_dma source(%dma_start3A_13 : memref<125x80xi32, #tpu.memory_space<hbm>>) target(%arg8 : memref<125x80xi32, #tpu.memory_space<vmem>>) target_semaphore(%run_scoped3A : memref<!tpu.dma_semaphore, #tpu.memory_space<semaphore_mem>>)
      %dma_wait3A = arith.constant 0 : i32
      %dma_wait3A_14 = arith.constant 0 : i32
      %dma_wait3A_15 = tpu.memref_slice %arg4[%arg0, %arg1, %dma_wait3A, %dma_wait3A_14] : memref<2x16x125x80xi32, #tpu.memory_space<hbm>> -> memref<1x1x125x80xi32, #tpu.memory_space<hbm>>
      %dma_wait3A_16 = tpu.memref_squeeze %dma_wait3A_15 : memref<1x1x125x80xi32, #tpu.memory_space<hbm>> -> memref<125x80xi32, #tpu.memory_space<hbm>>
      %dma_wait3A_17 = arith.constant 0 : i32
      %dma_wait3A_18 = arith.constant 0 : i32
      %dma_wait3A_19 = tpu.memref_slice %arg4[%arg0, %arg1, %dma_wait3A_17, %dma_wait3A_18] : memref<2x16x125x80xi32, #tpu.memory_space<hbm>> -> memref<1x1x125x80xi32, #tpu.memory_space<hbm>>
      %dma_wait3A_20 = tpu.memref_squeeze %dma_wait3A_19 : memref<1x1x125x80xi32, #tpu.memory_space<hbm>> -> memref<125x80xi32, #tpu.memory_space<hbm>>
      tpu.wait_dma2 semaphore(%run_scoped3A : memref<!tpu.dma_semaphore, #tpu.memory_space<semaphore_mem>>) src(%dma_wait3A_20 : memref<125x80xi32, #tpu.memory_space<hbm>>) dst(%arg8 : memref<125x80xi32, #tpu.memory_space<vmem>>)
      tpu.yield
    }) : () -> ()
    %barrier3A = arith.constant 0 : index
    tpu.barrier barrier_id(%barrier3A)
    %scan3A = arith.constant 0 : i32
    %scan3A_1 = arith.constant 0 : i32
    %scan3A_2 = arith.constant 125 : i32
    %scan3A_3 = arith.addi %scan3A_1, %scan3A_2 : i32
    %scan3A_4 = arith.constant 1 : i32
    scf.for %scan3A_7 = %scan3A_1 to %scan3A_3 step %scan3A_4  : i32 {
      "tpu.region"() ({
        %run_scoped3A = tpu.sem_alloc : memref<!tpu.dma_semaphore, #tpu.memory_space<semaphore_mem>>
        %dma_start3A = arith.constant 0 : i32
        %dma_start3A_8 = tpu.memref_slice %arg7[%scan3A_7, %dma_start3A] : memref<125x80xi32, #tpu.memory_space<vmem>> -> memref<1x80xi32, #tpu.memory_space<vmem>>
        %dma_start3A_9 = tpu.memref_squeeze %dma_start3A_8 : memref<1x80xi32, #tpu.memory_space<vmem>> -> memref<80xi32, #tpu.memory_space<vmem>>
        %dma_start3A_10 = arith.constant 0 : i32
        %dma_start3A_11 = arith.constant 0 : i32
        %dma_start3A_12 = tpu.memref_slice %arg2[%dma_start3A_10, %dma_start3A_11] : memref<10000x128xf32, #tpu.memory_space<hbm>> -> memref<10000x128xf32, #tpu.memory_space<hbm>>
        tpu.enqueue_indirect_dma source(%dma_start3A_12 : memref<10000x128xf32, #tpu.memory_space<hbm>>) target(%arg9 : memref<80x128xf32, #tpu.memory_space<vmem>>) offsets(%dma_start3A_9 : memref<80xi32, #tpu.memory_space<vmem>>) semaphore(%run_scoped3A : memref<!tpu.dma_semaphore, #tpu.memory_space<semaphore_mem>>)
        %dma_wait3A = arith.constant 0 : i32
        %dma_wait3A_13 = tpu.memref_slice %arg7[%scan3A_7, %dma_wait3A] : memref<125x80xi32, #tpu.memory_space<vmem>> -> memref<1x80xi32, #tpu.memory_space<vmem>>
        %dma_wait3A_14 = tpu.memref_squeeze %dma_wait3A_13 : memref<1x80xi32, #tpu.memory_space<vmem>> -> memref<80xi32, #tpu.memory_space<vmem>>
        %dma_wait3A_15 = arith.constant 0 : i32
        %dma_wait3A_16 = arith.constant 0 : i32
        %dma_wait3A_17 = tpu.memref_slice %arg2[%dma_wait3A_15, %dma_wait3A_16] : memref<10000x128xf32, #tpu.memory_space<hbm>> -> memref<10000x128xf32, #tpu.memory_space<hbm>>
        tpu.wait_indirect_dma semaphore(%run_scoped3A : memref<!tpu.dma_semaphore, #tpu.memory_space<semaphore_mem>>) src(%dma_wait3A_17 : memref<10000x128xf32, #tpu.memory_space<hbm>>) dst(%arg9 : memref<80x128xf32, #tpu.memory_space<vmem>>)
        tpu.yield
      }) : () -> ()
      "tpu.region"() ({
        %run_scoped3A = tpu.sem_alloc : memref<!tpu.dma_semaphore, #tpu.memory_space<semaphore_mem>>
        %dma_start3A = arith.constant 0 : i32
        %dma_start3A_8 = tpu.memref_slice %arg8[%scan3A_7, %dma_start3A] : memref<125x80xi32, #tpu.memory_space<vmem>> -> memref<1x80xi32, #tpu.memory_space<vmem>>
        %dma_start3A_9 = tpu.memref_squeeze %dma_start3A_8 : memref<1x80xi32, #tpu.memory_space<vmem>> -> memref<80xi32, #tpu.memory_space<vmem>>
        %dma_start3A_10 = arith.constant 0 : i32
        %dma_start3A_11 = arith.constant 0 : i32
        %dma_start3A_12 = tpu.memref_slice %arg10[%dma_start3A_10, %dma_start3A_11] : memref<10240x128xf32, #tpu.memory_space<vmem_shared>> -> memref<10240x128xf32, #tpu.memory_space<vmem_shared>>
        tpu.enqueue_indirect_dma source(%arg9 : memref<80x128xf32, #tpu.memory_space<vmem>>) target(%dma_start3A_12 : memref<10240x128xf32, #tpu.memory_space<vmem_shared>>) offsets(%dma_start3A_9 : memref<80xi32, #tpu.memory_space<vmem>>) semaphore(%run_scoped3A : memref<!tpu.dma_semaphore, #tpu.memory_space<semaphore_mem>>) {add = true}
        %dma_wait3A = arith.constant 0 : i32
        %dma_wait3A_13 = tpu.memref_slice %arg8[%scan3A_7, %dma_wait3A] : memref<125x80xi32, #tpu.memory_space<vmem>> -> memref<1x80xi32, #tpu.memory_space<vmem>>
        %dma_wait3A_14 = tpu.memref_squeeze %dma_wait3A_13 : memref<1x80xi32, #tpu.memory_space<vmem>> -> memref<80xi32, #tpu.memory_space<vmem>>
        %dma_wait3A_15 = arith.constant 0 : i32
        %dma_wait3A_16 = arith.constant 0 : i32
        %dma_wait3A_17 = tpu.memref_slice %arg10[%dma_wait3A_15, %dma_wait3A_16] : memref<10240x128xf32, #tpu.memory_space<vmem_shared>> -> memref<10240x128xf32, #tpu.memory_space<vmem_shared>>
        tpu.wait_indirect_dma semaphore(%run_scoped3A : memref<!tpu.dma_semaphore, #tpu.memory_space<semaphore_mem>>) src(%arg9 : memref<80x128xf32, #tpu.memory_space<vmem>>) dst(%dma_wait3A_17 : memref<10240x128xf32, #tpu.memory_space<vmem_shared>>)
        tpu.yield
      }) : () -> ()
    }
    %scan3A_5 = arith.constant 125 : i32
    %barrier3A_6 = arith.constant 0 : index
    tpu.barrier barrier_id(%barrier3A_6)
    "tpu.region"() ({
      %run_scoped3A = tpu.sem_alloc : memref<!tpu.dma_semaphore, #tpu.memory_space<semaphore_mem>>
      %dma_start3A = arith.constant 0 : i32
      %dma_start3A_7 = tpu.memref_slice %arg6[%arg0, %mul3A_0, %dma_start3A] : memref<2x10240x128xf32, #tpu.memory_space<hbm>> -> memref<1x640x128xf32, #tpu.memory_space<hbm>>
      %dma_start3A_8 = tpu.memref_squeeze %dma_start3A_7 : memref<1x640x128xf32, #tpu.memory_space<hbm>> -> memref<640x128xf32, #tpu.memory_space<hbm>>
      %dma_start3A_9 = arith.constant 0 : i32
      %dma_start3A_10 = tpu.memref_slice %arg10[%mul3A_0, %dma_start3A_9] : memref<10240x128xf32, #tpu.memory_space<vmem_shared>> -> memref<640x128xf32, #tpu.memory_space<vmem_shared>>
      tpu.enqueue_dma source(%dma_start3A_10 : memref<640x128xf32, #tpu.memory_space<vmem_shared>>) target(%dma_start3A_8 : memref<640x128xf32, #tpu.memory_space<hbm>>) target_semaphore(%run_scoped3A : memref<!tpu.dma_semaphore, #tpu.memory_space<semaphore_mem>>)
      %dma_wait3A = arith.constant 0 : i32
      %dma_wait3A_11 = tpu.memref_slice %arg6[%arg0, %mul3A_0, %dma_wait3A] : memref<2x10240x128xf32, #tpu.memory_space<hbm>> -> memref<1x640x128xf32, #tpu.memory_space<hbm>>
      %dma_wait3A_12 = tpu.memref_squeeze %dma_wait3A_11 : memref<1x640x128xf32, #tpu.memory_space<hbm>> -> memref<640x128xf32, #tpu.memory_space<hbm>>
      %dma_wait3A_13 = arith.constant 0 : i32
      %dma_wait3A_14 = tpu.memref_slice %arg10[%mul3A_0, %dma_wait3A_13] : memref<10240x128xf32, #tpu.memory_space<vmem_shared>> -> memref<640x128xf32, #tpu.memory_space<vmem_shared>>
      tpu.wait_dma2 semaphore(%run_scoped3A : memref<!tpu.dma_semaphore, #tpu.memory_space<semaphore_mem>>) src(%dma_wait3A_14 : memref<640x128xf32, #tpu.memory_space<vmem_shared>>) dst(%dma_wait3A_12 : memref<640x128xf32, #tpu.memory_space<hbm>>)
      tpu.yield
    }) : () -> ()
    return
  }
}

module attributes {stable_mosaic.version = 14 : i64} {
  func.func @_tc_a_body(%arg0: memref<2x10240x128xf32, #tpu.memory_space<vmem>>, %arg1: memref<10000x128xf32, #tpu.memory_space<vmem>>, %arg2: memref<10000x1xf32, #tpu.memory_space<vmem>>, %arg3: memref<10000x128xf32, #tpu.memory_space<vmem>>) attributes {dimension_semantics = [], scalar_prefetch = 0 : i64, scratch_operands = 0 : i64, tpu.core_type = #tpu.core_type<tc>} {
    %get3A = arith.constant 0 : index
    %get3A_0 = arith.constant 0 : index
    %get3A_1 = arith.constant 0 : index
    %get3A_2 = vector.load %arg0[%get3A, %get3A_0, %get3A_1] : memref<2x10240x128xf32, #tpu.memory_space<vmem>>, vector<1x10000x1xf32>
    %get3A_3 = vector.shape_cast %get3A_2 : vector<1x10000x1xf32> to vector<10000x1xf32>
    %get3A_4 = arith.constant 1 : index
    %get3A_5 = arith.constant 0 : index
    %get3A_6 = arith.constant 0 : index
    %get3A_7 = vector.load %arg0[%get3A_4, %get3A_5, %get3A_6] : memref<2x10240x128xf32, #tpu.memory_space<vmem>>, vector<1x10000x1xf32>
    %get3A_8 = vector.shape_cast %get3A_7 : vector<1x10000x1xf32> to vector<10000x1xf32>
    %add3A = arith.addf %get3A_3, %get3A_8 : vector<10000x1xf32>
    %add3A_9 = arith.constant 1.000000e+00 : f32
    %add3A_10 = vector.broadcast %add3A_9 : f32 to vector<10000x1xf32>
    %add3A_11 = arith.addf %add3A, %add3A_10 : vector<10000x1xf32>
    %rsqrt3A = math.rsqrt %add3A_11 : vector<10000x1xf32>
    %swap3A = arith.constant 0 : index
    %swap3A_12 = arith.constant 0 : index
    %swap3A_13 = vector.load %arg2[%swap3A, %swap3A_12] : memref<10000x1xf32, #tpu.memory_space<vmem>>, vector<10000x1xf32>
    tpu.vector_store %arg2[%swap3A, %swap3A_12], %rsqrt3A {strides = array<i32>} : memref<10000x1xf32, #tpu.memory_space<vmem>>, vector<10000x1xf32>,
    %get3A_14 = arith.constant 0 : index
    %get3A_15 = arith.constant 0 : index
    %get3A_16 = vector.load %arg1[%get3A_14, %get3A_15] : memref<10000x128xf32, #tpu.memory_space<vmem>>, vector<10000x128xf32>
    %mul3A = vector.broadcast %rsqrt3A : vector<10000x1xf32> to vector<10000x128xf32>
    %mul3A_17 = arith.mulf %mul3A, %get3A_16 : vector<10000x128xf32>
    %swap3A_18 = arith.constant 0 : index
    %swap3A_19 = arith.constant 0 : index
    %swap3A_20 = vector.load %arg3[%swap3A_18, %swap3A_19] : memref<10000x128xf32, #tpu.memory_space<vmem>>, vector<10000x128xf32>
    tpu.vector_store %arg3[%swap3A_18, %swap3A_19], %mul3A_17 {strides = array<i32>} : memref<10000x128xf32, #tpu.memory_space<vmem>>, vector<10000x128xf32>,
    return
  }
}

module attributes {stable_mosaic.version = 14 : i64} {
  func.func @_tc_b_body(%arg0: memref<2x10240x128xf32, #tpu.memory_space<vmem>>, %arg1: memref<10000x128xf32, #tpu.memory_space<vmem>>, %arg2: memref<10000x1xf32, #tpu.memory_space<vmem>>, %arg3: memref<128x256xf32, #tpu.memory_space<vmem>>, %arg4: memref<256x128xf32, #tpu.memory_space<vmem>>, %arg5: memref<1x256xf32, #tpu.memory_space<vmem>>, %arg6: memref<10000x128xf32, #tpu.memory_space<vmem>>) attributes {dimension_semantics = [], scalar_prefetch = 0 : i64, scratch_operands = 0 : i64, tpu.core_type = #tpu.core_type<tc>} {
    %get3A = arith.constant 0 : index
    %get3A_0 = arith.constant 0 : index
    %get3A_1 = vector.load %arg2[%get3A, %get3A_0] : memref<10000x1xf32, #tpu.memory_space<vmem>>, vector<10000x1xf32>
    %get3A_2 = arith.constant 0 : index
    %get3A_3 = arith.constant 0 : index
    %get3A_4 = arith.constant 0 : index
    %get3A_5 = vector.load %arg0[%get3A_2, %get3A_3, %get3A_4] : memref<2x10240x128xf32, #tpu.memory_space<vmem>>, vector<1x10000x128xf32>
    %get3A_6 = vector.shape_cast %get3A_5 : vector<1x10000x128xf32> to vector<10000x128xf32>
    %get3A_7 = arith.constant 1 : index
    %get3A_8 = arith.constant 0 : index
    %get3A_9 = arith.constant 0 : index
    %get3A_10 = vector.load %arg0[%get3A_7, %get3A_8, %get3A_9] : memref<2x10240x128xf32, #tpu.memory_space<vmem>>, vector<1x10000x128xf32>
    %get3A_11 = vector.shape_cast %get3A_10 : vector<1x10000x128xf32> to vector<10000x128xf32>
    %add3A = arith.addf %get3A_6, %get3A_11 : vector<10000x128xf32>
    %get3A_12 = arith.constant 0 : index
    %get3A_13 = arith.constant 0 : index
    %get3A_14 = vector.load %arg1[%get3A_12, %get3A_13] : memref<10000x128xf32, #tpu.memory_space<vmem>>, vector<10000x128xf32>
    %add3A_15 = arith.addf %add3A, %get3A_14 : vector<10000x128xf32>
    %mul3A = vector.broadcast %get3A_1 : vector<10000x1xf32> to vector<10000x128xf32>
    %mul3A_16 = arith.mulf %mul3A, %add3A_15 : vector<10000x128xf32>
    %get3A_17 = arith.constant 0 : index
    %get3A_18 = arith.constant 0 : index
    %get3A_19 = vector.load %arg3[%get3A_17, %get3A_18] : memref<128x256xf32, #tpu.memory_space<vmem>>, vector<128x256xf32>
    %get3A_20 = arith.constant 0 : index
    %get3A_21 = arith.constant 0 : index
    %get3A_22 = vector.load %arg4[%get3A_20, %get3A_21] : memref<256x128xf32, #tpu.memory_space<vmem>>, vector<256x128xf32>
    %dot_general3A = arith.constant dense<0.000000e+00> : vector<128x128xf32>
    %dot_general3A_23 = tpu.matmul %get3A_19, %get3A_22, %dot_general3A {dimension_numbers = #tpu.dot_dimension_numbers<[1], [0], [0], [1], [0, 0, 1, 1], [], []>, transpose_lhs_hint = false} : vector<128x256xf32>, vector<256x128xf32>, vector<128x128xf32> -> vector<128x128xf32>
    %get3A_24 = arith.constant 0 : index
    %get3A_25 = arith.constant 0 : index
    %get3A_26 = vector.load %arg5[%get3A_24, %get3A_25] : memref<1x256xf32, #tpu.memory_space<vmem>>, vector<1x256xf32>
    %get3A_27 = arith.constant 0 : index
    %get3A_28 = arith.constant 0 : index
    %get3A_29 = vector.load %arg4[%get3A_27, %get3A_28] : memref<256x128xf32, #tpu.memory_space<vmem>>, vector<256x128xf32>
    %dot_general3A_30 = arith.constant dense<0.000000e+00> : vector<1x128xf32>
    %dot_general3A_31 = tpu.matmul %get3A_26, %get3A_29, %dot_general3A_30 {dimension_numbers = #tpu.dot_dimension_numbers<[1], [0], [0], [1], [0, 0, 1, 1], [], []>, transpose_lhs_hint = false} : vector<1x256xf32>, vector<256x128xf32>, vector<1x128xf32> -> vector<1x128xf32>
    %dot_general3A_32 = arith.constant dense<0.000000e+00> : vector<10000x128xf32>
    %dot_general3A_33 = tpu.matmul %mul3A_16, %dot_general3A_23, %dot_general3A_32 {dimension_numbers = #tpu.dot_dimension_numbers<[1], [0], [0], [1], [0, 0, 1, 1], [], []>, transpose_lhs_hint = false} : vector<10000x128xf32>, vector<128x128xf32>, vector<10000x128xf32> -> vector<10000x128xf32>
    %add3A_34 = vector.broadcast %dot_general3A_31 : vector<1x128xf32> to vector<10000x128xf32>
    %add3A_35 = arith.addf %dot_general3A_33, %add3A_34 : vector<10000x128xf32>
    %mul3A_36 = vector.broadcast %get3A_1 : vector<10000x1xf32> to vector<10000x128xf32>
    %mul3A_37 = arith.mulf %mul3A_36, %add3A_35 : vector<10000x128xf32>
    %swap3A = arith.constant 0 : index
    %swap3A_38 = arith.constant 0 : index
    %swap3A_39 = vector.load %arg6[%swap3A, %swap3A_38] : memref<10000x128xf32, #tpu.memory_space<vmem>>, vector<10000x128xf32>
    tpu.vector_store %arg6[%swap3A, %swap3A_38], %mul3A_37 {strides = array<i32>} : memref<10000x128xf32, #tpu.memory_space<vmem>>, vector<10000x128xf32>,
    return
  }
}

module attributes {stable_mosaic.version = 14 : i64} {
  func.func @_tc_c_body(%arg0: memref<2x10240x128xf32, #tpu.memory_space<vmem>>, %arg1: memref<10000x128xf32, #tpu.memory_space<vmem>>, %arg2: memref<10000x1xf32, #tpu.memory_space<vmem>>, %arg3: memref<1x128xf32, #tpu.memory_space<vmem>>, %arg4: memref<1x128xf32, #tpu.memory_space<vmem>>, %arg5: memref<1x128xf32, #tpu.memory_space<vmem>>, %arg6: memref<10000x128xf32, #tpu.memory_space<vmem>>) attributes {dimension_semantics = [], scalar_prefetch = 0 : i64, scratch_operands = 0 : i64, tpu.core_type = #tpu.core_type<tc>} {
    %get3A = arith.constant 0 : index
    %get3A_0 = arith.constant 0 : index
    %get3A_1 = vector.load %arg2[%get3A, %get3A_0] : memref<10000x1xf32, #tpu.memory_space<vmem>>, vector<10000x1xf32>
    %get3A_2 = arith.constant 0 : index
    %get3A_3 = arith.constant 0 : index
    %get3A_4 = arith.constant 0 : index
    %get3A_5 = vector.load %arg0[%get3A_2, %get3A_3, %get3A_4] : memref<2x10240x128xf32, #tpu.memory_space<vmem>>, vector<1x10000x128xf32>
    %get3A_6 = vector.shape_cast %get3A_5 : vector<1x10000x128xf32> to vector<10000x128xf32>
    %get3A_7 = arith.constant 1 : index
    %get3A_8 = arith.constant 0 : index
    %get3A_9 = arith.constant 0 : index
    %get3A_10 = vector.load %arg0[%get3A_7, %get3A_8, %get3A_9] : memref<2x10240x128xf32, #tpu.memory_space<vmem>>, vector<1x10000x128xf32>
    %get3A_11 = vector.shape_cast %get3A_10 : vector<1x10000x128xf32> to vector<10000x128xf32>
    %add3A = arith.addf %get3A_6, %get3A_11 : vector<10000x128xf32>
    %get3A_12 = arith.constant 0 : index
    %get3A_13 = arith.constant 0 : index
    %get3A_14 = vector.load %arg1[%get3A_12, %get3A_13] : memref<10000x128xf32, #tpu.memory_space<vmem>>, vector<10000x128xf32>
    %add3A_15 = arith.addf %add3A, %get3A_14 : vector<10000x128xf32>
    %mul3A = vector.broadcast %get3A_1 : vector<10000x1xf32> to vector<10000x128xf32>
    %mul3A_16 = arith.mulf %mul3A, %add3A_15 : vector<10000x128xf32>
    %get3A_17 = arith.constant 0 : index
    %get3A_18 = arith.constant 0 : index
    %get3A_19 = vector.load %arg3[%get3A_17, %get3A_18] : memref<1x128xf32, #tpu.memory_space<vmem>>, vector<1x128xf32>
    %add3A_20 = vector.broadcast %get3A_19 : vector<1x128xf32> to vector<10000x128xf32>
    %add3A_21 = arith.addf %mul3A_16, %add3A_20 : vector<10000x128xf32>
    %reduce_sum3A = arith.constant dense<0.000000e+00> : vector<128xf32>
    %reduce_sum3A_22 = vector.multi_reduction <add>, %add3A_21, %reduce_sum3A [0] : vector<10000x128xf32> to vector<128xf32>
    %broadcast_in_dim3A = vector.shape_cast %reduce_sum3A_22 : vector<128xf32> to vector<1x128xf32>
    %div3A = arith.constant 1.000000e+04 : f32
    %div3A_23 = vector.broadcast %div3A : f32 to vector<1x128xf32>
    %div3A_24 = arith.divf %broadcast_in_dim3A, %div3A_23 : vector<1x128xf32>
    %sub3A = vector.broadcast %div3A_24 : vector<1x128xf32> to vector<10000x128xf32>
    %sub3A_25 = arith.subf %add3A_21, %sub3A : vector<10000x128xf32>
    %integer_pow3A = arith.mulf %sub3A_25, %sub3A_25 : vector<10000x128xf32>
    %reduce_sum3A_26 = arith.constant dense<0.000000e+00> : vector<128xf32>
    %reduce_sum3A_27 = vector.multi_reduction <add>, %integer_pow3A, %reduce_sum3A_26 [0] : vector<10000x128xf32> to vector<128xf32>
    %broadcast_in_dim3A_28 = vector.shape_cast %reduce_sum3A_27 : vector<128xf32> to vector<1x128xf32>
    %div3A_29 = arith.constant 1.000000e+04 : f32
    %div3A_30 = vector.broadcast %div3A_29 : f32 to vector<1x128xf32>
    %div3A_31 = arith.divf %broadcast_in_dim3A_28, %div3A_30 : vector<1x128xf32>
    %sub3A_32 = vector.broadcast %div3A_24 : vector<1x128xf32> to vector<10000x128xf32>
    %sub3A_33 = arith.subf %add3A_21, %sub3A_32 : vector<10000x128xf32>
    %add3A_34 = arith.constant 9.99999974E-6 : f32
    %add3A_35 = vector.broadcast %add3A_34 : f32 to vector<1x128xf32>
    %add3A_36 = arith.addf %div3A_31, %add3A_35 : vector<1x128xf32>
    %rsqrt3A = math.rsqrt %add3A_36 : vector<1x128xf32>
    %mul3A_37 = vector.broadcast %rsqrt3A : vector<1x128xf32> to vector<10000x128xf32>
    %mul3A_38 = arith.mulf %sub3A_33, %mul3A_37 : vector<10000x128xf32>
    %get3A_39 = arith.constant 0 : index
    %get3A_40 = arith.constant 0 : index
    %get3A_41 = vector.load %arg4[%get3A_39, %get3A_40] : memref<1x128xf32, #tpu.memory_space<vmem>>, vector<1x128xf32>
    %mul3A_42 = vector.broadcast %get3A_41 : vector<1x128xf32> to vector<10000x128xf32>
    %mul3A_43 = arith.mulf %mul3A_38, %mul3A_42 : vector<10000x128xf32>
    %get3A_44 = arith.constant 0 : index
    %get3A_45 = arith.constant 0 : index
    %get3A_46 = vector.load %arg5[%get3A_44, %get3A_45] : memref<1x128xf32, #tpu.memory_space<vmem>>, vector<1x128xf32>
    %add3A_47 = vector.broadcast %get3A_46 : vector<1x128xf32> to vector<10000x128xf32>
    %add3A_48 = arith.addf %mul3A_43, %add3A_47 : vector<10000x128xf32>
    %swap3A = arith.constant 0 : index
    %swap3A_49 = arith.constant 0 : index
    %swap3A_50 = vector.load %arg6[%swap3A, %swap3A_49] : memref<10000x128xf32, #tpu.memory_space<vmem>>, vector<10000x128xf32>
    tpu.vector_store %arg6[%swap3A, %swap3A_49], %add3A_48 {strides = array<i32>} : memref<10000x128xf32, #tpu.memory_space<vmem>>, vector<10000x128xf32>,
    return
  }
}

</mosaic_0001>

<sc_bundles>
// kernel: kernel.11.cloned.1.call-start
scs
__scs_entry_jumppad:
0x0: {  	(pc) =	sbr.rel $0x88, $3  }
0x1: {  	(tag) =	ssettag $0x0;
	lr =	simm.s32 $0x1  }
0x2: {  	[smem:$0x3F99] =	sst lr;
	_ =	strace $0xD0000000  }
0x3: {  	_ = 	snop  }
0x4: {  	_ = 	snop  }
0x5: {  	_ = 	snop  }
0x6: {  	_ = 	snop  }
0x7: {  	_ = 	snop  }
__scs_overlays_trampoline_lowered:
0x8: {  	[smem:$0x3FA8] =	sst s0  }
0x9: {  	[smem:$0x3FA9] =	sst s1  }
0xa: {  	[smem:$0x3FAA] =	sst s2  }
0xb: {  	[smem:$0x3FAB] =	sst s3  }
0xc: {  	[smem:$0x3FAC] =	sst s4  }
0xd: {  	[smem:$0x3FAD] =	sst s5  }
0xe: {  	[smem:$0x3FAE] =	sst s6  }
0xf: {  	[smem:$0x3FAF] =	sst s7  }
0x10: {  	[smem:$0x3FB0] =	sst s8  }
0x11: {  	[smem:$0x3FB1] =	sst s9;
	s0 =	simm.s32 @!p0 $0x0  }
0x12: {  	s1 =	sld [smem:$0x3F97];
	s0 =	simm.s32 @p0 $0x1  }
0x13: {  	[smem:$0x3FB2] =	sst s0;
	s0 =	simm.s32 @!p1 $0x0  }
0x14: {  	s2 =	sld [smem:$0x3F96];
	s0 =	simm.s32 @p1 $0x1  }
0x15: {  	[smem:$0x3FB3] =	sst s0;
	s0 =	simm.s32 @!p2 $0x0  }
0x16: {  	s3 =	sld [smem:$0x3FDB];
	s0 =	simm.s32 @p2 $0x1  }
0x17: {  	s4 =	simm.s32 $0x1BF5;
	[smem:$0x3FB5] =	sst s0  }
0x18: {  	s0 =	sld [smem:$0x3F98];
	_ =	swait.ge [sflag:s4], $0x0  }
0x19: {  	s7 =	sld [smem:$0x3F99]  }
0x1a: {  	s8 =	sadd.s32 $0xFFFFE003, lr  }
0x1b: {  	s9 =	sadd.s32 $0xFFFFFEF7, lr;
	s5 =	simm.s32 $0xFFFFFFFF;
	p2 =	slt.u32 s8, $0xFFFFF086  }
0x1c: {  	p1 =	slt.u32 s9, $0xF7A;
	s5 =	simm.s32 @!p2 $0x0  }
0x1d: {  	s5 =	simm.s32 @p1 $0x1;
	p0 =	seq.s32 s7, s2  }
0x1e: {  	s7 =	smul.u32 @!p0 $0xF7A, s2;
	p2 =	seq.s32 @!p0 s5, $0x0  }
0x1f: {  	s9 =	smul.u32 $0xF7A, s1;
	s8 =	simm.s32 @!p0 $0x1BF5;
	p2 =	por !p2, p0  }
0x20: {  	[sflag:s8] =	ssyncset.s32 @!p0 $0xFFFFF086;
	s6 =	sadd.s32 @!p0 s3, s7;
	s7 =	simm.s32 @!p0 $0x108  }
0x21: {  	s3 =	sadd.s32 s3, s9;
	s6 =	sadd.s32 @!p0 $0x88, s6;
	s7 =	simm.s32 @p2 $0x1082  }
0x22: {  	[simem:s7], [sflag:s8] =	dma.local @!p0 [hbm:s6], $0xF7A  }
0x23: {  	s9 =	sor.u32 $0xD0000000, s2;
	s6 =	simm.s32 $0x108;
	_ =	swait.ge @!p0 [sflag:s8], $0x0  }
0x24: {  	s3 =	sadd.s32 $0x88, s3;
	s6 =	simm.s32 @!p1 $0x1082;
	[sflag:s4] =	ssyncset.s32 $0xFFFFF086  }
0x25: {  	[simem:s6], [sflag:s4] =	dma.local [hbm:s3], $0xF7A  }
0x26: {  	[smem:$0x3F99] =	sst s1;
	(tag) =	ssettag s2;
	_ =	strace s9  }
0x27: {  	s1 =	sld [smem:$0x3FA9]  }
0x28: {  	s2 =	sld [smem:$0x3FAA]  }
0x29: {  	s4 =	sld [smem:$0x3FAC]  }
0x2a: {  	p0 =	seq.s32 s5, $0x0;
	s5 =	sld [smem:$0x3FAD]  }
0x2b: {  	s6 =	sld [smem:$0x3FAE]  }
0x2c: {  	s7 =	sld [smem:$0x3FAF]  }
0x2d: {  	s3 =	simm.s32 $0x108;
	s8 =	sld [smem:$0x3FB0]  }
0x2e: {  	s3 =	simm.s32 @!p0 $0x1082;
	s9 =	sld [smem:$0x3FB1]  }
0x2f: {  	lr =	sadd.s32 s0, s3;
	s0 =	sld [smem:$0x3FA8]  }
0x30: {  	s3 =	sld [smem:$0x3FAB]  }
0x31: {  	[smem:$0x3FB4] =	sst s10  }
0x32: {  	s10 =	sld [smem:$0x3FB2];
	_ =	sdelay $0x3  }
0x33: {  	p0 =	seq.s32 s10, $0x1;
	s10 =	sld [smem:$0x3FB4];
	_ =	sdelay $0x3  }
0x34: {  	[smem:$0x3FB4] =	sst s10  }
0x35: {  	s10 =	sld [smem:$0x3FB3];
	_ =	sdelay $0x3  }
0x36: {  	p1 =	seq.s32 s10, $0x1;
	s10 =	sld [smem:$0x3FB4];
	_ =	sdelay $0x3  }
0x37: {  	[smem:$0x3FB4] =	sst s10  }
0x38: {  	s10 =	sld [smem:$0x3FB5]  }
0x39: {  	_ = 	snop;
	(pc) =	sbr.ind lr, $3  }
0x3a: {  	_ = 	snop  }
0x3b: {  	_ = 	snop  }
0x3c: {  	p2 =	seq.s32 s10, $0x1;
	s10 =	sld [smem:$0x3FB4]  }
0x3d: {  	_ =	shalt  }
0x3e: {  	_ =	shalt  }
0x3f: {  	_ =	shalt  }
0x40: {  	_ =	shalt  }
0x41: {  	_ =	shalt  }
0x42: {  	_ =	shalt  }
0x43: {  	_ =	shalt  }
0x44: {  	_ =	shalt  }
0x45: {  	_ =	shalt  }
0x46: {  	_ =	shalt  }
0x47: {  	_ =	shalt  }
0x48: {  	_ =	shalt  }
0x49: {  	_ =	shalt  }
0x4a: {  	_ =	shalt  }
0x4b: {  	_ =	shalt  }
0x4c: {  	_ =	shalt  }
0x4d: {  	_ =	shalt  }
0x4e: {  	_ =	shalt  }
0x4f: {  	_ =	shalt  }
0x50: {  	_ =	shalt  }
0x51: {  	_ =	shalt  }
0x52: {  	_ =	shalt  }
0x53: {  	_ =	shalt  }
0x54: {  	_ =	shalt  }
0x55: {  	_ =	shalt  }
0x56: {  	_ =	shalt  }
0x57: {  	_ =	shalt  }
0x58: {  	_ =	shalt  }
0x59: {  	_ =	shalt  }
0x5a: {  	_ =	shalt  }
0x5b: {  	_ =	shalt  }
0x5c: {  	_ =	shalt  }
0x5d: {  	_ =	shalt  }
0x5e: {  	_ =	shalt  }
0x5f: {  	_ =	shalt  }
0x60: {  	_ =	shalt  }
0x61: {  	_ =	shalt  }
0x62: {  	_ =	shalt  }
0x63: {  	_ =	shalt  }
0x64: {  	_ =	shalt  }
0x65: {  	_ =	shalt  }
0x66: {  	_ =	shalt  }
0x67: {  	_ =	shalt  }
0x68: {  	_ =	shalt  }
0x69: {  	_ =	shalt  }
0x6a: {  	_ =	shalt  }
0x6b: {  	_ =	shalt  }
0x6c: {  	_ =	shalt  }
0x6d: {  	_ =	shalt  }
0x6e: {  	_ =	shalt  }
0x6f: {  	_ =	shalt  }
0x70: {  	_ =	shalt  }
0x71: {  	_ =	shalt  }
0x72: {  	_ =	shalt  }
0x73: {  	_ =	shalt  }
0x74: {  	_ =	shalt  }
0x75: {  	_ =	shalt  }
0x76: {  	_ =	shalt  }
0x77: {  	_ =	shalt  }
0x78: {  	_ =	shalt  }
0x79: {  	_ =	shalt  }
0x7a: {  	_ =	shalt  }
0x7b: {  	_ =	shalt  }
0x7c: {  	_ =	shalt  }
0x7d: {  	_ =	shalt  }
0x7e: {  	_ =	shalt  }
0x7f: {  	_ =	shalt  }
0x80: {  	_ =	shalt  }
0x81: {  	_ =	shalt  }
0x82: {  	_ =	shalt  }
0x83: {  	_ =	shalt  }
0x84: {  	_ =	shalt  }
0x85: {  	_ =	shalt  }
0x86: {  	_ =	shalt  }
0x87: {  	_ =	shalt  }
.Lfunc_end0:
.L_simem_size_0:
called_computation.1_lowered:
.L_overlay_start_0:
0x88: {  	s2 =	sld [smem:$0x3FD9]  }
0x89: {  	s3 =	sld [smem:$0x3FFE];
	_ =	sdelay $0x1  }
0x8a: {  	s1 =	srdreg.scid  }
0x8b: {  	s0 =	sand.u32 $0x1, s1  }
0x8c: {  	s17 =	sshll.u32 s0, $0xA;
	s2 =	sadd.s32 s3, s2  }
0x8d: {  	s2 =	sadd.s32 s2, s17  }
0x8e: {  	[smem:$0x3FC0] =	sst s2  }
0x8f: {  	_ = 	snop  }
0x90: {  	s2 =	sld [smem:$0x3FD0];
	(tm) =	ssettm $0x1  }
0x91: {  	s18 =	sld [smem:$0x3FFB];
	_ =	sdelay $0x3  }
0x92: {  	_ =	strace s18  }
0x93: {  	s3 =	sld [smem:$0x3FFC];
	_ =	sdelay $0x3  }
0x94: {  	_ =	strace s3  }
0x95: {  	s3 =	sld [smem:$0x3FFD];
	_ =	sdelay $0x3  }
0x96: {  	_ =	strace s3  }
0x97: {  	_ =	strace $0x8FFFFFFF  }
0x98: {  	s19 =	sld [smem:$0x3FDB];
	_ =	sdelay $0x1  }
0x99: {  	s4 =	simm.s32 $_scs_section_size  }
0x9a: {  	s5 =	simm.s32 $_size__tile_overlayer_lowered;
	s6 =	simm.s32 $_tile_overlayer_lowered  }
0x9b: {  	s22 =	simm.s32 $0x1BFF;
	s21 =	sshll.u32 s6, $0x1;
	s3 =	sadd.s32 s4, s19  }
0x9c: {  	s7 =	simm.s32 $0x0;
	s20 =	sshll.u32 s5, $0x1;
	s5 =	sadd.s32 s21, s3  }
0x9d: {  	[timem:s7], [sflag:s22] =	dma.local [hbm:s5], s20  }
0x9e: {  	_ =	swait.ge [sflag:s22], s20  }
0x9f: {  	s4 =	ssub.s32 $0x0, s20;
	[sflag:s22] =	ssyncset.done $0x0  }
0xa0: {  	[sflag:s22] =	ssyncadd.s32 s4;
	_ =	sdelay $0x1  }
0xa1: {  	s23 =	simm.s32 $0x1B8B  }
0xa2: {  	_ =	swait.ge [sflag:s23], $0x1  }
0xa3: {  	[sflag:s23] =	ssyncset.done $0x0  }
0xa4: {  	s25 =	simm.s32 $0x1B8E;
	s24 =	sld [smem:$0x3FFE];
	[sflag:s23] =	ssyncadd.s32 $0xFFFFFFFF  }
0xa5: {  	s26 =	simm.s32 $execute0_lowered;
	[smem:$0x3FD2] =	sst s25  }
0xa6: {  	s5 =	sshll.u32 s26, $0x1;
	_ =	strace $0x80000049;
	[dreg:$0x1] =	wrdreg $0xFFFFFFFF  }
0xa7: {  	s28 =	simm.s32 $_size_execute0_lowered;
	s3 =	sadd.s32 s3, s5;
	[dreg:$0x0] =	wrdreg $0x0  }
0xa8: {  	s5 =	sshll.u32 s28, $0x1;
	[dreg:$0x2] =	wrdreg s3  }
0xa9: {  	[dreg:$0x3] =	wrdreg s5  }
0xaa: {  	[dreg:$0x4] =	wrdreg $0xC0  }
0xab: {  	_ =	task [dreg:s7], $0x5FFFF  }
0xac: {  	[dreg:$0x1] =	wrdreg $0xFFFFFFFF  }
0xad: {  	[dreg:$0x0] =	wrdreg $0x60  }
0xae: {  	[dreg:$0x2] =	wrdreg s2  }
0xaf: {  	[dreg:$0x3] =	wrdreg s24  }
0xb0: {  	[dreg:$0x4] =	wrdreg $0xA8000  }
0xb1: {  	[dreg:$0x5] =	wrdreg $0x9  }
0xb2: {  	_ =	task.clear_ibuf [dreg:s7], $0x6FFFF;
	_ =	strace $0x90000049  }
0xb3: {  	s29 =	simm.s32 $0x9;
	_ =	strace $0x8000004B  }
0xb4: {  	_ =	swait.ge [sflag:s29], $0x1  }
0xb5: {  	[sflag:s29] =	ssyncadd.s32 $0xFFFFFFFF  }
0xb6: {  	_ =	strace $0x9000004B  }
0xb7: {  	_ =	sfence  }
0xb8: {  	s30 =	sld [smem:$0x0];
	_ =	sdelay $0x2  }
0xb9: {  	s31 =	sshll.u32 s1, $0xD;
	s1 =	sshrl.u32 s1, $0x2  }
0xba: {  	s3 =	sand.u32 $0x4000, s31;
	s1 =	sadd.s32 s1, s30  }
0xbb: {  	s0 =	sor.u32 s3, s0;
	s1 =	sshll.u32 s1, $0x11  }
0xbc: {  	s0 =	sor.u32 s1, s0  }
0xbd: {  	s0 =	sadd.s32 $0x8F2B, s0  }
0xbe: {  	[sflag:s0] =	ssyncadd.remote.s32 $0x1  }
0xbf: {  	_ =	sfence.sel $0xFFFF  }
0xc0: {  	[dreg:$0x0] =	wrdreg $0xFFFFFFFF;
	(pc) =	sbr.abs _section_cstart, $3  }
0xc1: {  	[dreg:$0x1] =	wrdreg $0xFFFFFFFF  }
0xc2: {  	_ =	task.clear_ibuf [dreg:s7], $0x2FFFF;
	_ =	strace $0x9FFFFFFF  }
0xc3: {  	(tm) =	ssettm $0x7FFFFFFF  }
tec
execute0_lowered:
.L_overlay_start_1:
0x0: {  	(tag) =	ssettag $0x1  }
0x1: {  	s1 =	rddreg [dreg:$0x0]  }
0x2: {  	s5 =	rddreg [dreg:$0x1]  }
0x3: {  	s3 =	rddreg [dreg:$0x2]  }
0x4: {  	s0 =	rddreg [dreg:$0x3]  }
0x5: {  	s6 =	srdreg.scid;
	s4 =	simm.s32 $0x0;
	s2 =	stileid.u32  }
0x6: {  	s14 =	simm.s32 $0x50;
	s15 =	simm.s32 $0x8000;
	s16 =	simm.s32 $0x0  }
0x7: {  	s6 =	sand.u32 $0x1, s6;
	s8 =	sshll.u32 s2, $0xB;
	s9 =	smul.u32 $0x14000, s2  }
0x8: {  	[smem:$0x7FF] =	sst s4;
	s28 =	smul.u32 $0x50000, s2;
	s31 =	sshll.u32 s2, $0x6  }
0x9: {  	s7 =	sshll.u32 s6, $0xF;
	s25 =	smul.u32 $0x140000, s6;
	_ =	strace $0x8000004A  }
0xa: {  	s6 =	ssub.s32 $0x2, s6;
	s7 =	sor.u32 s8, s7;
	s26 =	sshrl.u32 s9, $0x3  }
0xb: {  	s29 =	sshrl.u32 s6, $0x1;
	s30 =	sshrl.u32 s28, $0x2;
	s10 =	sadd.s32 s7, s5  }
0xc: {  	s8 =	sadd.s32 s9, s25;
	s7 =	sadd.s32 s26, s5;
	s12 =	ssub.s32 s6, s29  }
0xd: {  	s13 =	sadd.s32 s30, s3;
	s6 =	sor.u32 $0x1C01, s31;
	s8 =	sshrl.u32 s8, $0x3  }
0xe: {  	s11 =	sadd.s32 s8, s5;
	s5 =	sadd.s32 $0x12A00, s7;
	s7 =	sadd.s32 $0x8AA00, s10  }
0xf: {  	s8 =	sadd.s32 $0x2A00, s10;
	s10 =	smax.u32 s12, $0x1;
	s12 =	simm.s32 $0x1  }
0x10: {  	s9 =	sadd.s32 $0x3AA00, s11;
	s11 =	sshrl.u32 s13, $0x3;
	s13 =	simm.s32 $0x4000  }
.LBB2_1:
0x11: {  	[spmem:s11], [sflag:s6] =	dma.local [hbm:s5], $0x2800  }
0x12: {  	_ =	swait.ge [sflag:s12], $0x2800  }
0x13: {  	[sflag:s12] =	ssyncset.done $0x0  }
0x14: {  	[sflag:s12] =	ssyncadd.s32 $0xFFFFD800  }
0x15: {  	[tilespmem:s4], [sflag:$0x1] =	stream.linear.gather [hbm4b:s7+s4], $0x3E80, $0x38;
	[tilespmem:$0x1E800] =	vst v63  }
0x16: {  	_ =	swait.ge [sflag:s12], $0x3E80  }
0x17: {  	[sflag:s12] =	ssyncset.done $0x0  }
0x18: {  	[sflag:s12] =	ssyncadd.s32 $0xFFFFC180  }
0x19: {  	[tilespmem:s13], [sflag:$0x1] =	stream.linear.gather [hbm4b:s8+s4], $0x3E80, $0x38;
	[tilespmem:$0x1E800] =	vst v63  }
0x1a: {  	_ =	swait.ge [sflag:s12], $0x3E80  }
0x1b: {  	[sflag:s12] =	ssyncset.done $0x0  }
0x1c: {  	[sflag:s12] =	ssyncadd.s32 $0xFFFFC180  }
0x1d: {  	s17 =	simm.s32 $0x0;
	[bflag:$0x0] =	sbarrier.arrive $0xFFFF  }
0x1e: {  	[tilespmem:s15], [sflag:$0x1] =	stream.indirect.gather [hbm4b:s1+s14], $0x80, s17, s14, $0xb8;
	[tilespmem:$0x1E800] =	vst v63  }
0x1f: {  	_ =	swait.ge [sflag:s12], $0x2800  }
0x20: {  	[sflag:s12] =	ssyncset.done $0x0  }
0x21: {  	s31 =	simm.s32 $0x4000;
	[sflag:s12] =	ssyncadd.s32 $0xFFFFD800  }
0x22: {  	[spmem:s3] =	stream.indirect.scatter.add.f32 [tilespmem:s15], [sflag:$0x1], $0x80, s31, s14, $0xb8;
	[tilespmem:$0x1E800] =	vst v63  }
0x23: {  	_ =	swait.ge [sflag:s12], $0x2800  }
0x24: {  	s18 =	simm.s32 $0x400;
	s17 =	simm.s32 $0x200;
	[sflag:s12] =	ssyncset.done $0x0  }
.LBB2_2:
0x25: {  	s19 =	sshra.s32 s17, $0x2  }
0x26: {  	[sflag:s12] =	ssyncadd.s32 $0xFFFFD800;
	s17 =	smov.u32 s18;
	s20 =	sadd.s32 $0x200, s18  }
0x27: {  	[tilespmem:s15], [sflag:$0x1] =	stream.indirect.gather [hbm4b:s1+s14], $0x80, s19, s14, $0xb8;
	[tilespmem:$0x1E800] =	vst v63  }
0x28: {  	p0 =	sne.s32 s18, $0xF800;
	_ =	swait.ge [sflag:s12], $0x2800  }
.Ltmp0:
0x29: {  	[sflag:s12] =	ssyncset.done $0x0;
	(pc) =	sbr.rel @p0 .LBB2_2-.Ltmp0, $4  }
0x2a: {  	s18 =	sadd.s32 $0x4000, s19;
	[sflag:s12] =	ssyncadd.s32 $0xFFFFD800  }
0x2b: {  	[spmem:s3] =	stream.indirect.scatter.add.f32 [tilespmem:s15], [sflag:$0x1], $0x80, s18, s14, $0xb8;
	[tilespmem:$0x1E800] =	vst v63  }
0x2c: {  	_ =	swait.ge [sflag:s12], $0x2800  }
0x2d: {  	s18 =	smov.u32 s20;
	[sflag:s12] =	ssyncset.done $0x0  }
0x2e: {  	s17 =	sshra.s32 s17, $0x2;
	[sflag:s12] =	ssyncadd.s32 $0xFFFFD800  }
0x2f: {  	[tilespmem:s15], [sflag:$0x1] =	stream.indirect.gather [hbm4b:s1+s14], $0x80, s17, s14, $0xb8;
	[tilespmem:$0x1E800] =	vst v63  }
0x30: {  	_ =	swait.ge [sflag:s12], $0x2800  }
0x31: {  	[sflag:s12] =	ssyncset.done $0x0  }
0x32: {  	s17 =	sadd.s32 $0x4000, s17;
	[sflag:s12] =	ssyncadd.s32 $0xFFFFD800  }
0x33: {  	[spmem:s3] =	stream.indirect.scatter.add.f32 [tilespmem:s15], [sflag:$0x1], $0x80, s17, s14, $0xb8;
	[tilespmem:$0x1E800] =	vst v63  }
0x34: {  	_ =	swait.ge [sflag:s12], $0x2800  }
0x35: {  	s16 =	sadd.s32 $0x1, s16;
	[sflag:s12] =	ssyncset.done $0x0  }
0x36: {  	p0 =	sne.s32 s16, s10;
	[sflag:s12] =	ssyncadd.s32 $0xFFFFD800  }
.Ltmp1:
0x37: {  	[bflag:$0x0] =	sbarrier.arrive $0xFFFF;
	(pc) =	sbr.rel @p0 .LBB2_1-.Ltmp1, $4  }
0x38: {  	[hbm:s9], [sflag:s6] =	dma.local [spmem:s11], $0x2800  }
0x39: {  	_ =	swait.ge [sflag:s12], $0x2800  }
0x3a: {  	[sflag:s12] =	ssyncset.done $0x0  }
0x3b: {  	[sflag:s12] =	ssyncadd.s32 $0xFFFFD800  }
0x3c: {  	_ =	sfence.sel $0x180000  }
0x3d: {  	[bflag:$0x0] =	sbarrier.arrive $0xFFFF  }
0x3e: {  	p0 =	sne.s32 s2, $0x0;
	_ =	strace $0x9000004A  }
0x3f: {  	s0 =	sadd.s32 @!p0 $0x100000, s0;
	[bflag:$0x2] =	sbarrier.arrive $0xFFFF  }
0x40: {  	[sflag:s0] =	ssyncadd.tile.s32 @!p0 $0x1;
	_ =	shalt  }
.Lfunc_end2:
_tile_overlayer_lowered:
.L_overlay_start_2:
0x41: {  	(tag) =	ssettag $0x2  }
0x42: {  	s0 =	rddreg [dreg:$0x0];
	s2 =	stileid.u32  }
0x43: {  	s1 =	rddreg [dreg:$0x1];
	p0 =	sne.s32 s2, $0x0  }
0x44: {  	s3 =	rddreg [dreg:$0x2];
	[bflag:$0x3] =	sbarrier.arrive $0xFFFF;
	s2 =	simm.s32 @!p0 $0x1C01  }
0x45: {  	[timem:s3], [sflag:s2] =	dma.local @!p0 [hbm:s0], s1  }
0x46: {  	s0 =	simm.s32 @!p0 $0x1  }
0x47: {  	_ =	swait.ge @!p0 [sflag:s0], s1  }
0x48: {  	s1 =	ssub.s32 @!p0 $0x0, s1;
	[sflag:s0] =	ssyncset.done @!p0 $0x0  }
0x49: {  	[sflag:s0] =	ssyncadd.s32 @!p0 s1  }
0x4a: {  	[bflag:$0x3] =	sbarrier.arrive $0xFFFF  }
0x4b: {  	_ =	shalt  }

// kernel: kernel.14.cloned.1.call-start
scs
__scs_entry_jumppad:
0x0: {  	(pc) =	sbr.rel $0x88, $3  }
0x1: {  	(tag) =	ssettag $0x0;
	lr =	simm.s32 $0x1  }
0x2: {  	[smem:$0x3F99] =	sst lr;
	_ =	strace $0xD0000000  }
0x3: {  	_ = 	snop  }
0x4: {  	_ = 	snop  }
0x5: {  	_ = 	snop  }
0x6: {  	_ = 	snop  }
0x7: {  	_ = 	snop  }
__scs_overlays_trampoline_lowered:
0x8: {  	[smem:$0x3FA8] =	sst s0  }
0x9: {  	[smem:$0x3FA9] =	sst s1  }
0xa: {  	[smem:$0x3FAA] =	sst s2  }
0xb: {  	[smem:$0x3FAB] =	sst s3  }
0xc: {  	[smem:$0x3FAC] =	sst s4  }
0xd: {  	[smem:$0x3FAD] =	sst s5  }
0xe: {  	[smem:$0x3FAE] =	sst s6  }
0xf: {  	[smem:$0x3FAF] =	sst s7  }
0x10: {  	[smem:$0x3FB0] =	sst s8  }
0x11: {  	[smem:$0x3FB1] =	sst s9;
	s0 =	simm.s32 @!p0 $0x0  }
0x12: {  	s1 =	sld [smem:$0x3F97];
	s0 =	simm.s32 @p0 $0x1  }
0x13: {  	[smem:$0x3FB2] =	sst s0;
	s0 =	simm.s32 @!p1 $0x0  }
0x14: {  	s2 =	sld [smem:$0x3F96];
	s0 =	simm.s32 @p1 $0x1  }
0x15: {  	[smem:$0x3FB3] =	sst s0;
	s0 =	simm.s32 @!p2 $0x0  }
0x16: {  	s3 =	sld [smem:$0x3FDB];
	s0 =	simm.s32 @p2 $0x1  }
0x17: {  	s4 =	simm.s32 $0x1BF5;
	[smem:$0x3FB5] =	sst s0  }
0x18: {  	s0 =	sld [smem:$0x3F98];
	_ =	swait.ge [sflag:s4], $0x0  }
0x19: {  	s7 =	sld [smem:$0x3F99]  }
0x1a: {  	s8 =	sadd.s32 $0xFFFFE003, lr  }
0x1b: {  	s9 =	sadd.s32 $0xFFFFFEF7, lr;
	s5 =	simm.s32 $0xFFFFFFFF;
	p2 =	slt.u32 s8, $0xFFFFF086  }
0x1c: {  	p1 =	slt.u32 s9, $0xF7A;
	s5 =	simm.s32 @!p2 $0x0  }
0x1d: {  	s5 =	simm.s32 @p1 $0x1;
	p0 =	seq.s32 s7, s2  }
0x1e: {  	s7 =	smul.u32 @!p0 $0xF7A, s2;
	p2 =	seq.s32 @!p0 s5, $0x0  }
0x1f: {  	s9 =	smul.u32 $0xF7A, s1;
	s8 =	simm.s32 @!p0 $0x1BF5;
	p2 =	por !p2, p0  }
0x20: {  	[sflag:s8] =	ssyncset.s32 @!p0 $0xFFFFF086;
	s6 =	sadd.s32 @!p0 s3, s7;
	s7 =	simm.s32 @!p0 $0x108  }
0x21: {  	s3 =	sadd.s32 s3, s9;
	s6 =	sadd.s32 @!p0 $0x88, s6;
	s7 =	simm.s32 @p2 $0x1082  }
0x22: {  	[simem:s7], [sflag:s8] =	dma.local @!p0 [hbm:s6], $0xF7A  }
0x23: {  	s9 =	sor.u32 $0xD0000000, s2;
	s6 =	simm.s32 $0x108;
	_ =	swait.ge @!p0 [sflag:s8], $0x0  }
0x24: {  	s3 =	sadd.s32 $0x88, s3;
	s6 =	simm.s32 @!p1 $0x1082;
	[sflag:s4] =	ssyncset.s32 $0xFFFFF086  }
0x25: {  	[simem:s6], [sflag:s4] =	dma.local [hbm:s3], $0xF7A  }
0x26: {  	[smem:$0x3F99] =	sst s1;
	(tag) =	ssettag s2;
	_ =	strace s9  }
0x27: {  	s1 =	sld [smem:$0x3FA9]  }
0x28: {  	s2 =	sld [smem:$0x3FAA]  }
0x29: {  	s4 =	sld [smem:$0x3FAC]  }
0x2a: {  	p0 =	seq.s32 s5, $0x0;
	s5 =	sld [smem:$0x3FAD]  }
0x2b: {  	s6 =	sld [smem:$0x3FAE]  }
0x2c: {  	s7 =	sld [smem:$0x3FAF]  }
0x2d: {  	s3 =	simm.s32 $0x108;
	s8 =	sld [smem:$0x3FB0]  }
0x2e: {  	s3 =	simm.s32 @!p0 $0x1082;
	s9 =	sld [smem:$0x3FB1]  }
0x2f: {  	lr =	sadd.s32 s0, s3;
	s0 =	sld [smem:$0x3FA8]  }
0x30: {  	s3 =	sld [smem:$0x3FAB]  }
0x31: {  	[smem:$0x3FB4] =	sst s10  }
0x32: {  	s10 =	sld [smem:$0x3FB2];
	_ =	sdelay $0x3  }
0x33: {  	p0 =	seq.s32 s10, $0x1;
	s10 =	sld [smem:$0x3FB4];
	_ =	sdelay $0x3  }
0x34: {  	[smem:$0x3FB4] =	sst s10  }
0x35: {  	s10 =	sld [smem:$0x3FB3];
	_ =	sdelay $0x3  }
0x36: {  	p1 =	seq.s32 s10, $0x1;
	s10 =	sld [smem:$0x3FB4];
	_ =	sdelay $0x3  }
0x37: {  	[smem:$0x3FB4] =	sst s10  }
0x38: {  	s10 =	sld [smem:$0x3FB5]  }
0x39: {  	_ = 	snop;
	(pc) =	sbr.ind lr, $3  }
0x3a: {  	_ = 	snop  }
0x3b: {  	_ = 	snop  }
0x3c: {  	p2 =	seq.s32 s10, $0x1;
	s10 =	sld [smem:$0x3FB4]  }
0x3d: {  	_ =	shalt  }
0x3e: {  	_ =	shalt  }
0x3f: {  	_ =	shalt  }
0x40: {  	_ =	shalt  }
0x41: {  	_ =	shalt  }
0x42: {  	_ =	shalt  }
0x43: {  	_ =	shalt  }
0x44: {  	_ =	shalt  }
0x45: {  	_ =	shalt  }
0x46: {  	_ =	shalt  }
0x47: {  	_ =	shalt  }
0x48: {  	_ =	shalt  }
0x49: {  	_ =	shalt  }
0x4a: {  	_ =	shalt  }
0x4b: {  	_ =	shalt  }
0x4c: {  	_ =	shalt  }
0x4d: {  	_ =	shalt  }
0x4e: {  	_ =	shalt  }
0x4f: {  	_ =	shalt  }
0x50: {  	_ =	shalt  }
0x51: {  	_ =	shalt  }
0x52: {  	_ =	shalt  }
0x53: {  	_ =	shalt  }
0x54: {  	_ =	shalt  }
0x55: {  	_ =	shalt  }
0x56: {  	_ =	shalt  }
0x57: {  	_ =	shalt  }
0x58: {  	_ =	shalt  }
0x59: {  	_ =	shalt  }
0x5a: {  	_ =	shalt  }
0x5b: {  	_ =	shalt  }
0x5c: {  	_ =	shalt  }
0x5d: {  	_ =	shalt  }
0x5e: {  	_ =	shalt  }
0x5f: {  	_ =	shalt  }
0x60: {  	_ =	shalt  }
0x61: {  	_ =	shalt  }
0x62: {  	_ =	shalt  }
0x63: {  	_ =	shalt  }
0x64: {  	_ =	shalt  }
0x65: {  	_ =	shalt  }
0x66: {  	_ =	shalt  }
0x67: {  	_ =	shalt  }
0x68: {  	_ =	shalt  }
0x69: {  	_ =	shalt  }
0x6a: {  	_ =	shalt  }
0x6b: {  	_ =	shalt  }
0x6c: {  	_ =	shalt  }
0x6d: {  	_ =	shalt  }
0x6e: {  	_ =	shalt  }
0x6f: {  	_ =	shalt  }
0x70: {  	_ =	shalt  }
0x71: {  	_ =	shalt  }
0x72: {  	_ =	shalt  }
0x73: {  	_ =	shalt  }
0x74: {  	_ =	shalt  }
0x75: {  	_ =	shalt  }
0x76: {  	_ =	shalt  }
0x77: {  	_ =	shalt  }
0x78: {  	_ =	shalt  }
0x79: {  	_ =	shalt  }
0x7a: {  	_ =	shalt  }
0x7b: {  	_ =	shalt  }
0x7c: {  	_ =	shalt  }
0x7d: {  	_ =	shalt  }
0x7e: {  	_ =	shalt  }
0x7f: {  	_ =	shalt  }
0x80: {  	_ =	shalt  }
0x81: {  	_ =	shalt  }
0x82: {  	_ =	shalt  }
0x83: {  	_ =	shalt  }
0x84: {  	_ =	shalt  }
0x85: {  	_ =	shalt  }
0x86: {  	_ =	shalt  }
0x87: {  	_ =	shalt  }
.Lfunc_end0:
.L_simem_size_0:
called_computation.2_lowered:
.L_overlay_start_0:
0x88: {  	s2 =	sld [smem:$0x3FD9]  }
0x89: {  	s3 =	sld [smem:$0x3FFE];
	_ =	sdelay $0x1  }
0x8a: {  	s1 =	srdreg.scid  }
0x8b: {  	s0 =	sand.u32 $0x1, s1  }
0x8c: {  	s17 =	sshll.u32 s0, $0xA;
	s2 =	sadd.s32 s3, s2  }
0x8d: {  	s2 =	sadd.s32 s2, s17  }
0x8e: {  	[smem:$0x3FC0] =	sst s2  }
0x8f: {  	_ = 	snop  }
0x90: {  	s2 =	sld [smem:$0x3FD0];
	(tm) =	ssettm $0x1  }
0x91: {  	s18 =	sld [smem:$0x3FFB];
	_ =	sdelay $0x3  }
0x92: {  	_ =	strace s18  }
0x93: {  	s3 =	sld [smem:$0x3FFC];
	_ =	sdelay $0x3  }
0x94: {  	_ =	strace s3  }
0x95: {  	s3 =	sld [smem:$0x3FFD];
	_ =	sdelay $0x3  }
0x96: {  	_ =	strace s3  }
0x97: {  	_ =	strace $0x8FFFFFFF  }
0x98: {  	s19 =	sld [smem:$0x3FDB];
	_ =	sdelay $0x1  }
0x99: {  	s4 =	simm.s32 $_scs_section_size  }
0x9a: {  	s5 =	simm.s32 $_size__tile_overlayer_lowered;
	s6 =	simm.s32 $_tile_overlayer_lowered  }
0x9b: {  	s22 =	simm.s32 $0x1BFF;
	s21 =	sshll.u32 s6, $0x1;
	s3 =	sadd.s32 s4, s19  }
0x9c: {  	s7 =	simm.s32 $0x0;
	s20 =	sshll.u32 s5, $0x1;
	s5 =	sadd.s32 s21, s3  }
0x9d: {  	[timem:s7], [sflag:s22] =	dma.local [hbm:s5], s20  }
0x9e: {  	_ =	swait.ge [sflag:s22], s20  }
0x9f: {  	s4 =	ssub.s32 $0x0, s20;
	[sflag:s22] =	ssyncset.done $0x0  }
0xa0: {  	[sflag:s22] =	ssyncadd.s32 s4;
	_ =	sdelay $0x1  }
0xa1: {  	s23 =	simm.s32 $0x1B8B  }
0xa2: {  	_ =	swait.ge [sflag:s23], $0x1  }
0xa3: {  	[sflag:s23] =	ssyncset.done $0x0  }
0xa4: {  	s25 =	simm.s32 $0x1B8E;
	s24 =	sld [smem:$0x3FFE];
	[sflag:s23] =	ssyncadd.s32 $0xFFFFFFFF  }
0xa5: {  	s26 =	simm.s32 $execute0_lowered;
	[smem:$0x3FD2] =	sst s25  }
0xa6: {  	s5 =	sshll.u32 s26, $0x1;
	_ =	strace $0x8000004C;
	[dreg:$0x1] =	wrdreg $0xFFFFFFFF  }
0xa7: {  	s28 =	simm.s32 $_size_execute0_lowered;
	s3 =	sadd.s32 s3, s5;
	[dreg:$0x0] =	wrdreg $0x0  }
0xa8: {  	s5 =	sshll.u32 s28, $0x1;
	[dreg:$0x2] =	wrdreg s3  }
0xa9: {  	[dreg:$0x3] =	wrdreg s5  }
0xaa: {  	[dreg:$0x4] =	wrdreg $0xC0  }
0xab: {  	_ =	task [dreg:s7], $0x5FFFF  }
0xac: {  	[dreg:$0x1] =	wrdreg $0xFFFFFFFF  }
0xad: {  	[dreg:$0x0] =	wrdreg $0x60  }
0xae: {  	[dreg:$0x2] =	wrdreg s2  }
0xaf: {  	[dreg:$0x3] =	wrdreg s24  }
0xb0: {  	[dreg:$0x4] =	wrdreg $0xA8000  }
0xb1: {  	[dreg:$0x5] =	wrdreg $0x9  }
0xb2: {  	_ =	task.clear_ibuf [dreg:s7], $0x6FFFF;
	_ =	strace $0x9000004C  }
0xb3: {  	s29 =	simm.s32 $0x9;
	_ =	strace $0x8000004E  }
0xb4: {  	_ =	swait.ge [sflag:s29], $0x1  }
0xb5: {  	[sflag:s29] =	ssyncadd.s32 $0xFFFFFFFF  }
0xb6: {  	_ =	strace $0x9000004E  }
0xb7: {  	_ =	sfence  }
0xb8: {  	s30 =	sld [smem:$0x0];
	_ =	sdelay $0x2  }
0xb9: {  	s31 =	sshll.u32 s1, $0xD;
	s1 =	sshrl.u32 s1, $0x2  }
0xba: {  	s3 =	sand.u32 $0x4000, s31;
	s1 =	sadd.s32 s1, s30  }
0xbb: {  	s0 =	sor.u32 s3, s0;
	s1 =	sshll.u32 s1, $0x11  }
0xbc: {  	s0 =	sor.u32 s1, s0  }
0xbd: {  	s0 =	sadd.s32 $0x8F2B, s0  }
0xbe: {  	[sflag:s0] =	ssyncadd.remote.s32 $0x1  }
0xbf: {  	_ =	sfence.sel $0xFFFF  }
0xc0: {  	[dreg:$0x0] =	wrdreg $0xFFFFFFFF;
	(pc) =	sbr.abs _section_cstart, $3  }
0xc1: {  	[dreg:$0x1] =	wrdreg $0xFFFFFFFF  }
0xc2: {  	_ =	task.clear_ibuf [dreg:s7], $0x2FFFF;
	_ =	strace $0x9FFFFFFF  }
0xc3: {  	(tm) =	ssettm $0x7FFFFFFF  }
tec
execute0_lowered:
.L_overlay_start_1:
0x0: {  	(tag) =	ssettag $0x1  }
0x1: {  	s1 =	rddreg [dreg:$0x0]  }
0x2: {  	s5 =	rddreg [dreg:$0x1]  }
0x3: {  	s3 =	rddreg [dreg:$0x2]  }
0x4: {  	s0 =	rddreg [dreg:$0x3]  }
0x5: {  	s6 =	srdreg.scid;
	s4 =	simm.s32 $0x0;
	s2 =	stileid.u32  }
0x6: {  	s14 =	simm.s32 $0x50;
	s15 =	simm.s32 $0x8000;
	s16 =	simm.s32 $0x0  }
0x7: {  	s6 =	sand.u32 $0x1, s6;
	s8 =	sshll.u32 s2, $0xB;
	s9 =	smul.u32 $0x14000, s2  }
0x8: {  	[smem:$0x7FF] =	sst s4;
	s28 =	smul.u32 $0x50000, s2;
	s31 =	sshll.u32 s2, $0x6  }
0x9: {  	s7 =	sshll.u32 s6, $0xF;
	s25 =	smul.u32 $0x140000, s6;
	_ =	strace $0x8000004D  }
0xa: {  	s6 =	ssub.s32 $0x2, s6;
	s7 =	sor.u32 s8, s7;
	s26 =	sshrl.u32 s9, $0x3  }
0xb: {  	s29 =	sshrl.u32 s6, $0x1;
	s30 =	sshrl.u32 s28, $0x2;
	s10 =	sadd.s32 s7, s5  }
0xc: {  	s8 =	sadd.s32 s9, s25;
	s7 =	sadd.s32 s26, s5;
	s12 =	ssub.s32 s6, s29  }
0xd: {  	s13 =	sadd.s32 s30, s3;
	s6 =	sor.u32 $0x1C01, s31;
	s8 =	sshrl.u32 s8, $0x3  }
0xe: {  	s11 =	sadd.s32 s8, s5;
	s5 =	sadd.s32 $0x12A00, s7;
	s7 =	sadd.s32 $0x8AA00, s10  }
0xf: {  	s8 =	sadd.s32 $0x2A00, s10;
	s10 =	smax.u32 s12, $0x1;
	s12 =	simm.s32 $0x1  }
0x10: {  	s9 =	sadd.s32 $0x3AA00, s11;
	s11 =	sshrl.u32 s13, $0x3;
	s13 =	simm.s32 $0x4000  }
.LBB2_1:
0x11: {  	[spmem:s11], [sflag:s6] =	dma.local [hbm:s5], $0x2800  }
0x12: {  	_ =	swait.ge [sflag:s12], $0x2800  }
0x13: {  	[sflag:s12] =	ssyncset.done $0x0  }
0x14: {  	[sflag:s12] =	ssyncadd.s32 $0xFFFFD800  }
0x15: {  	[tilespmem:s4], [sflag:$0x1] =	stream.linear.gather [hbm4b:s7+s4], $0x3E80, $0x38;
	[tilespmem:$0x1E800] =	vst v63  }
0x16: {  	_ =	swait.ge [sflag:s12], $0x3E80  }
0x17: {  	[sflag:s12] =	ssyncset.done $0x0  }
0x18: {  	[sflag:s12] =	ssyncadd.s32 $0xFFFFC180  }
0x19: {  	[tilespmem:s13], [sflag:$0x1] =	stream.linear.gather [hbm4b:s8+s4], $0x3E80, $0x38;
	[tilespmem:$0x1E800] =	vst v63  }
0x1a: {  	_ =	swait.ge [sflag:s12], $0x3E80  }
0x1b: {  	[sflag:s12] =	ssyncset.done $0x0  }
0x1c: {  	[sflag:s12] =	ssyncadd.s32 $0xFFFFC180  }
0x1d: {  	s17 =	simm.s32 $0x0;
	[bflag:$0x0] =	sbarrier.arrive $0xFFFF  }
0x1e: {  	[tilespmem:s15], [sflag:$0x1] =	stream.indirect.gather [hbm4b:s1+s14], $0x80, s17, s14, $0xb8;
	[tilespmem:$0x1E800] =	vst v63  }
0x1f: {  	_ =	swait.ge [sflag:s12], $0x2800  }
0x20: {  	[sflag:s12] =	ssyncset.done $0x0  }
0x21: {  	s31 =	simm.s32 $0x4000;
	[sflag:s12] =	ssyncadd.s32 $0xFFFFD800  }
0x22: {  	[spmem:s3] =	stream.indirect.scatter.add.f32 [tilespmem:s15], [sflag:$0x1], $0x80, s31, s14, $0xb8;
	[tilespmem:$0x1E800] =	vst v63  }
0x23: {  	_ =	swait.ge [sflag:s12], $0x2800  }
0x24: {  	s18 =	simm.s32 $0x400;
	s17 =	simm.s32 $0x200;
	[sflag:s12] =	ssyncset.done $0x0  }
.LBB2_2:
0x25: {  	s19 =	sshra.s32 s17, $0x2  }
0x26: {  	[sflag:s12] =	ssyncadd.s32 $0xFFFFD800;
	s17 =	smov.u32 s18;
	s20 =	sadd.s32 $0x200, s18  }
0x27: {  	[tilespmem:s15], [sflag:$0x1] =	stream.indirect.gather [hbm4b:s1+s14], $0x80, s19, s14, $0xb8;
	[tilespmem:$0x1E800] =	vst v63  }
0x28: {  	p0 =	sne.s32 s18, $0xF800;
	_ =	swait.ge [sflag:s12], $0x2800  }
.Ltmp0:
0x29: {  	[sflag:s12] =	ssyncset.done $0x0;
	(pc) =	sbr.rel @p0 .LBB2_2-.Ltmp0, $4  }
0x2a: {  	s18 =	sadd.s32 $0x4000, s19;
	[sflag:s12] =	ssyncadd.s32 $0xFFFFD800  }
0x2b: {  	[spmem:s3] =	stream.indirect.scatter.add.f32 [tilespmem:s15], [sflag:$0x1], $0x80, s18, s14, $0xb8;
	[tilespmem:$0x1E800] =	vst v63  }
0x2c: {  	_ =	swait.ge [sflag:s12], $0x2800  }
0x2d: {  	s18 =	smov.u32 s20;
	[sflag:s12] =	ssyncset.done $0x0  }
0x2e: {  	s17 =	sshra.s32 s17, $0x2;
	[sflag:s12] =	ssyncadd.s32 $0xFFFFD800  }
0x2f: {  	[tilespmem:s15], [sflag:$0x1] =	stream.indirect.gather [hbm4b:s1+s14], $0x80, s17, s14, $0xb8;
	[tilespmem:$0x1E800] =	vst v63  }
0x30: {  	_ =	swait.ge [sflag:s12], $0x2800  }
0x31: {  	[sflag:s12] =	ssyncset.done $0x0  }
0x32: {  	s17 =	sadd.s32 $0x4000, s17;
	[sflag:s12] =	ssyncadd.s32 $0xFFFFD800  }
0x33: {  	[spmem:s3] =	stream.indirect.scatter.add.f32 [tilespmem:s15], [sflag:$0x1], $0x80, s17, s14, $0xb8;
	[tilespmem:$0x1E800] =	vst v63  }
0x34: {  	_ =	swait.ge [sflag:s12], $0x2800  }
0x35: {  	s16 =	sadd.s32 $0x1, s16;
	[sflag:s12] =	ssyncset.done $0x0  }
0x36: {  	p0 =	sne.s32 s16, s10;
	[sflag:s12] =	ssyncadd.s32 $0xFFFFD800  }
.Ltmp1:
0x37: {  	[bflag:$0x0] =	sbarrier.arrive $0xFFFF;
	(pc) =	sbr.rel @p0 .LBB2_1-.Ltmp1, $4  }
0x38: {  	[hbm:s9], [sflag:s6] =	dma.local [spmem:s11], $0x2800  }
0x39: {  	_ =	swait.ge [sflag:s12], $0x2800  }
0x3a: {  	[sflag:s12] =	ssyncset.done $0x0  }
0x3b: {  	[sflag:s12] =	ssyncadd.s32 $0xFFFFD800  }
0x3c: {  	_ =	sfence.sel $0x180000  }
0x3d: {  	[bflag:$0x0] =	sbarrier.arrive $0xFFFF  }
0x3e: {  	p0 =	sne.s32 s2, $0x0;
	_ =	strace $0x9000004D  }
0x3f: {  	s0 =	sadd.s32 @!p0 $0x100000, s0;
	[bflag:$0x2] =	sbarrier.arrive $0xFFFF  }
0x40: {  	[sflag:s0] =	ssyncadd.tile.s32 @!p0 $0x1;
	_ =	shalt  }
.Lfunc_end2:
_tile_overlayer_lowered:
.L_overlay_start_2:
0x41: {  	(tag) =	ssettag $0x2  }
0x42: {  	s0 =	rddreg [dreg:$0x0];
	s2 =	stileid.u32  }
0x43: {  	s1 =	rddreg [dreg:$0x1];
	p0 =	sne.s32 s2, $0x0  }
0x44: {  	s3 =	rddreg [dreg:$0x2];
	[bflag:$0x3] =	sbarrier.arrive $0xFFFF;
	s2 =	simm.s32 @!p0 $0x1C01  }
0x45: {  	[timem:s3], [sflag:s2] =	dma.local @!p0 [hbm:s0], s1  }
0x46: {  	s0 =	simm.s32 @!p0 $0x1  }
0x47: {  	_ =	swait.ge @!p0 [sflag:s0], s1  }
0x48: {  	s1 =	ssub.s32 @!p0 $0x0, s1;
	[sflag:s0] =	ssyncset.done @!p0 $0x0  }
0x49: {  	[sflag:s0] =	ssyncadd.s32 @!p0 s1  }
0x4a: {  	[bflag:$0x3] =	sbarrier.arrive $0xFFFF  }
0x4b: {  	_ =	shalt  }

// kernel: kernel.8.cloned.1.call-start
scs
__scs_entry_jumppad:
0x0: {  	(pc) =	sbr.rel $0x88, $3  }
0x1: {  	(tag) =	ssettag $0x0;
	lr =	simm.s32 $0x1  }
0x2: {  	[smem:$0x3F99] =	sst lr;
	_ =	strace $0xD0000000  }
0x3: {  	_ = 	snop  }
0x4: {  	_ = 	snop  }
0x5: {  	_ = 	snop  }
0x6: {  	_ = 	snop  }
0x7: {  	_ = 	snop  }
__scs_overlays_trampoline_lowered:
0x8: {  	[smem:$0x3FA8] =	sst s0  }
0x9: {  	[smem:$0x3FA9] =	sst s1  }
0xa: {  	[smem:$0x3FAA] =	sst s2  }
0xb: {  	[smem:$0x3FAB] =	sst s3  }
0xc: {  	[smem:$0x3FAC] =	sst s4  }
0xd: {  	[smem:$0x3FAD] =	sst s5  }
0xe: {  	[smem:$0x3FAE] =	sst s6  }
0xf: {  	[smem:$0x3FAF] =	sst s7  }
0x10: {  	[smem:$0x3FB0] =	sst s8  }
0x11: {  	[smem:$0x3FB1] =	sst s9;
	s0 =	simm.s32 @!p0 $0x0  }
0x12: {  	s1 =	sld [smem:$0x3F97];
	s0 =	simm.s32 @p0 $0x1  }
0x13: {  	[smem:$0x3FB2] =	sst s0;
	s0 =	simm.s32 @!p1 $0x0  }
0x14: {  	s2 =	sld [smem:$0x3F96];
	s0 =	simm.s32 @p1 $0x1  }
0x15: {  	[smem:$0x3FB3] =	sst s0;
	s0 =	simm.s32 @!p2 $0x0  }
0x16: {  	s3 =	sld [smem:$0x3FDB];
	s0 =	simm.s32 @p2 $0x1  }
0x17: {  	s4 =	simm.s32 $0x1BF5;
	[smem:$0x3FB5] =	sst s0  }
0x18: {  	s0 =	sld [smem:$0x3F98];
	_ =	swait.ge [sflag:s4], $0x0  }
0x19: {  	s7 =	sld [smem:$0x3F99]  }
0x1a: {  	s8 =	sadd.s32 $0xFFFFE003, lr  }
0x1b: {  	s9 =	sadd.s32 $0xFFFFFEF7, lr;
	s5 =	simm.s32 $0xFFFFFFFF;
	p2 =	slt.u32 s8, $0xFFFFF086  }
0x1c: {  	p1 =	slt.u32 s9, $0xF7A;
	s5 =	simm.s32 @!p2 $0x0  }
0x1d: {  	s5 =	simm.s32 @p1 $0x1;
	p0 =	seq.s32 s7, s2  }
0x1e: {  	s7 =	smul.u32 @!p0 $0xF7A, s2;
	p2 =	seq.s32 @!p0 s5, $0x0  }
0x1f: {  	s9 =	smul.u32 $0xF7A, s1;
	s8 =	simm.s32 @!p0 $0x1BF5;
	p2 =	por !p2, p0  }
0x20: {  	[sflag:s8] =	ssyncset.s32 @!p0 $0xFFFFF086;
	s6 =	sadd.s32 @!p0 s3, s7;
	s7 =	simm.s32 @!p0 $0x108  }
0x21: {  	s3 =	sadd.s32 s3, s9;
	s6 =	sadd.s32 @!p0 $0x88, s6;
	s7 =	simm.s32 @p2 $0x1082  }
0x22: {  	[simem:s7], [sflag:s8] =	dma.local @!p0 [hbm:s6], $0xF7A  }
0x23: {  	s9 =	sor.u32 $0xD0000000, s2;
	s6 =	simm.s32 $0x108;
	_ =	swait.ge @!p0 [sflag:s8], $0x0  }
0x24: {  	s3 =	sadd.s32 $0x88, s3;
	s6 =	simm.s32 @!p1 $0x1082;
	[sflag:s4] =	ssyncset.s32 $0xFFFFF086  }
0x25: {  	[simem:s6], [sflag:s4] =	dma.local [hbm:s3], $0xF7A  }
0x26: {  	[smem:$0x3F99] =	sst s1;
	(tag) =	ssettag s2;
	_ =	strace s9  }
0x27: {  	s1 =	sld [smem:$0x3FA9]  }
0x28: {  	s2 =	sld [smem:$0x3FAA]  }
0x29: {  	s4 =	sld [smem:$0x3FAC]  }
0x2a: {  	p0 =	seq.s32 s5, $0x0;
	s5 =	sld [smem:$0x3FAD]  }
0x2b: {  	s6 =	sld [smem:$0x3FAE]  }
0x2c: {  	s7 =	sld [smem:$0x3FAF]  }
0x2d: {  	s3 =	simm.s32 $0x108;
	s8 =	sld [smem:$0x3FB0]  }
0x2e: {  	s3 =	simm.s32 @!p0 $0x1082;
	s9 =	sld [smem:$0x3FB1]  }
0x2f: {  	lr =	sadd.s32 s0, s3;
	s0 =	sld [smem:$0x3FA8]  }
0x30: {  	s3 =	sld [smem:$0x3FAB]  }
0x31: {  	[smem:$0x3FB4] =	sst s10  }
0x32: {  	s10 =	sld [smem:$0x3FB2];
	_ =	sdelay $0x3  }
0x33: {  	p0 =	seq.s32 s10, $0x1;
	s10 =	sld [smem:$0x3FB4];
	_ =	sdelay $0x3  }
0x34: {  	[smem:$0x3FB4] =	sst s10  }
0x35: {  	s10 =	sld [smem:$0x3FB3];
	_ =	sdelay $0x3  }
0x36: {  	p1 =	seq.s32 s10, $0x1;
	s10 =	sld [smem:$0x3FB4];
	_ =	sdelay $0x3  }
0x37: {  	[smem:$0x3FB4] =	sst s10  }
0x38: {  	s10 =	sld [smem:$0x3FB5]  }
0x39: {  	_ = 	snop;
	(pc) =	sbr.ind lr, $3  }
0x3a: {  	_ = 	snop  }
0x3b: {  	_ = 	snop  }
0x3c: {  	p2 =	seq.s32 s10, $0x1;
	s10 =	sld [smem:$0x3FB4]  }
0x3d: {  	_ =	shalt  }
0x3e: {  	_ =	shalt  }
0x3f: {  	_ =	shalt  }
0x40: {  	_ =	shalt  }
0x41: {  	_ =	shalt  }
0x42: {  	_ =	shalt  }
0x43: {  	_ =	shalt  }
0x44: {  	_ =	shalt  }
0x45: {  	_ =	shalt  }
0x46: {  	_ =	shalt  }
0x47: {  	_ =	shalt  }
0x48: {  	_ =	shalt  }
0x49: {  	_ =	shalt  }
0x4a: {  	_ =	shalt  }
0x4b: {  	_ =	shalt  }
0x4c: {  	_ =	shalt  }
0x4d: {  	_ =	shalt  }
0x4e: {  	_ =	shalt  }
0x4f: {  	_ =	shalt  }
0x50: {  	_ =	shalt  }
0x51: {  	_ =	shalt  }
0x52: {  	_ =	shalt  }
0x53: {  	_ =	shalt  }
0x54: {  	_ =	shalt  }
0x55: {  	_ =	shalt  }
0x56: {  	_ =	shalt  }
0x57: {  	_ =	shalt  }
0x58: {  	_ =	shalt  }
0x59: {  	_ =	shalt  }
0x5a: {  	_ =	shalt  }
0x5b: {  	_ =	shalt  }
0x5c: {  	_ =	shalt  }
0x5d: {  	_ =	shalt  }
0x5e: {  	_ =	shalt  }
0x5f: {  	_ =	shalt  }
0x60: {  	_ =	shalt  }
0x61: {  	_ =	shalt  }
0x62: {  	_ =	shalt  }
0x63: {  	_ =	shalt  }
0x64: {  	_ =	shalt  }
0x65: {  	_ =	shalt  }
0x66: {  	_ =	shalt  }
0x67: {  	_ =	shalt  }
0x68: {  	_ =	shalt  }
0x69: {  	_ =	shalt  }
0x6a: {  	_ =	shalt  }
0x6b: {  	_ =	shalt  }
0x6c: {  	_ =	shalt  }
0x6d: {  	_ =	shalt  }
0x6e: {  	_ =	shalt  }
0x6f: {  	_ =	shalt  }
0x70: {  	_ =	shalt  }
0x71: {  	_ =	shalt  }
0x72: {  	_ =	shalt  }
0x73: {  	_ =	shalt  }
0x74: {  	_ =	shalt  }
0x75: {  	_ =	shalt  }
0x76: {  	_ =	shalt  }
0x77: {  	_ =	shalt  }
0x78: {  	_ =	shalt  }
0x79: {  	_ =	shalt  }
0x7a: {  	_ =	shalt  }
0x7b: {  	_ =	shalt  }
0x7c: {  	_ =	shalt  }
0x7d: {  	_ =	shalt  }
0x7e: {  	_ =	shalt  }
0x7f: {  	_ =	shalt  }
0x80: {  	_ =	shalt  }
0x81: {  	_ =	shalt  }
0x82: {  	_ =	shalt  }
0x83: {  	_ =	shalt  }
0x84: {  	_ =	shalt  }
0x85: {  	_ =	shalt  }
0x86: {  	_ =	shalt  }
0x87: {  	_ =	shalt  }
.Lfunc_end0:
.L_simem_size_0:
called_computation_lowered:
.L_overlay_start_0:
0x88: {  	s2 =	sld [smem:$0x3FD9]  }
0x89: {  	s3 =	sld [smem:$0x3FFE];
	_ =	sdelay $0x1  }
0x8a: {  	s1 =	srdreg.scid  }
0x8b: {  	s0 =	sand.u32 $0x1, s1  }
0x8c: {  	s17 =	sshll.u32 s0, $0xA;
	s2 =	sadd.s32 s3, s2  }
0x8d: {  	s2 =	sadd.s32 s2, s17  }
0x8e: {  	[smem:$0x3FC0] =	sst s2  }
0x8f: {  	_ = 	snop  }
0x90: {  	s2 =	sld [smem:$0x3FD0];
	(tm) =	ssettm $0x1  }
0x91: {  	s18 =	sld [smem:$0x3FFB];
	_ =	sdelay $0x3  }
0x92: {  	_ =	strace s18  }
0x93: {  	s3 =	sld [smem:$0x3FFC];
	_ =	sdelay $0x3  }
0x94: {  	_ =	strace s3  }
0x95: {  	s3 =	sld [smem:$0x3FFD];
	_ =	sdelay $0x3  }
0x96: {  	_ =	strace s3  }
0x97: {  	_ =	strace $0x8FFFFFFF  }
0x98: {  	s19 =	sld [smem:$0x3FDB];
	_ =	sdelay $0x1  }
0x99: {  	s4 =	simm.s32 $_scs_section_size  }
0x9a: {  	s5 =	simm.s32 $_size__tile_overlayer_lowered;
	s6 =	simm.s32 $_tile_overlayer_lowered  }
0x9b: {  	s22 =	simm.s32 $0x1BFF;
	s21 =	sshll.u32 s6, $0x1;
	s3 =	sadd.s32 s4, s19  }
0x9c: {  	s7 =	simm.s32 $0x0;
	s20 =	sshll.u32 s5, $0x1;
	s5 =	sadd.s32 s21, s3  }
0x9d: {  	[timem:s7], [sflag:s22] =	dma.local [hbm:s5], s20  }
0x9e: {  	_ =	swait.ge [sflag:s22], s20  }
0x9f: {  	s4 =	ssub.s32 $0x0, s20;
	[sflag:s22] =	ssyncset.done $0x0  }
0xa0: {  	[sflag:s22] =	ssyncadd.s32 s4;
	_ =	sdelay $0x1  }
0xa1: {  	s23 =	simm.s32 $0x1B8B  }
0xa2: {  	_ =	swait.ge [sflag:s23], $0x1  }
0xa3: {  	[sflag:s23] =	ssyncset.done $0x0  }
0xa4: {  	s25 =	simm.s32 $0x1B8E;
	s24 =	sld [smem:$0x3FFE];
	[sflag:s23] =	ssyncadd.s32 $0xFFFFFFFF  }
0xa5: {  	s26 =	simm.s32 $execute0_lowered;
	[smem:$0x3FD2] =	sst s25  }
0xa6: {  	s5 =	sshll.u32 s26, $0x1;
	_ =	strace $0x80000046;
	[dreg:$0x1] =	wrdreg $0xFFFFFFFF  }
0xa7: {  	s28 =	simm.s32 $_size_execute0_lowered;
	s3 =	sadd.s32 s3, s5;
	[dreg:$0x0] =	wrdreg $0x0  }
0xa8: {  	s5 =	sshll.u32 s28, $0x1;
	[dreg:$0x2] =	wrdreg s3  }
0xa9: {  	[dreg:$0x3] =	wrdreg s5  }
0xaa: {  	[dreg:$0x4] =	wrdreg $0xC0  }
0xab: {  	_ =	task [dreg:s7], $0x5FFFF  }
0xac: {  	[dreg:$0x1] =	wrdreg $0xFFFFFFFF  }
0xad: {  	[dreg:$0x0] =	wrdreg $0x60  }
0xae: {  	[dreg:$0x2] =	wrdreg s24  }
0xaf: {  	[dreg:$0x3] =	wrdreg s2  }
0xb0: {  	[dreg:$0x4] =	wrdreg $0x68000  }
0xb1: {  	[dreg:$0x5] =	wrdreg $0x9  }
0xb2: {  	_ =	task.clear_ibuf [dreg:s7], $0x6FFFF;
	_ =	strace $0x90000046  }
0xb3: {  	s29 =	simm.s32 $0x9;
	_ =	strace $0x80000048  }
0xb4: {  	_ =	swait.ge [sflag:s29], $0x1  }
0xb5: {  	[sflag:s29] =	ssyncadd.s32 $0xFFFFFFFF  }
0xb6: {  	_ =	strace $0x90000048  }
0xb7: {  	_ =	sfence  }
0xb8: {  	s30 =	sld [smem:$0x0];
	_ =	sdelay $0x2  }
0xb9: {  	s31 =	sshll.u32 s1, $0xD;
	s1 =	sshrl.u32 s1, $0x2  }
0xba: {  	s3 =	sand.u32 $0x4000, s31;
	s1 =	sadd.s32 s1, s30  }
0xbb: {  	s0 =	sor.u32 s3, s0;
	s1 =	sshll.u32 s1, $0x11  }
0xbc: {  	s0 =	sor.u32 s1, s0  }
0xbd: {  	s0 =	sadd.s32 $0x8F2B, s0  }
0xbe: {  	[sflag:s0] =	ssyncadd.remote.s32 $0x1  }
0xbf: {  	_ =	sfence.sel $0xFFFF  }
0xc0: {  	[dreg:$0x0] =	wrdreg $0xFFFFFFFF;
	(pc) =	sbr.abs _section_cstart, $3  }
0xc1: {  	[dreg:$0x1] =	wrdreg $0xFFFFFFFF  }
0xc2: {  	_ =	task.clear_ibuf [dreg:s7], $0x2FFFF;
	_ =	strace $0x9FFFFFFF  }
0xc3: {  	(tm) =	ssettm $0x7FFFFFFF  }
tec
execute0_lowered:
.L_overlay_start_1:
0x0: {  	(tag) =	ssettag $0x1  }
0x1: {  	s5 =	rddreg [dreg:$0x0]  }
0x2: {  	s2 =	rddreg [dreg:$0x1]  }
0x3: {  	s3 =	rddreg [dreg:$0x2]  }
0x4: {  	s0 =	rddreg [dreg:$0x3];
	s1 =	stileid.u32  }
0x5: {  	s6 =	srdreg.scid;
	s4 =	simm.s32 $0x0;
	s13 =	simm.s32 $0x50  }
0x6: {  	s14 =	simm.s32 $0x0;
	s7 =	smul.u32 $0x14000, s1;
	s6 =	sand.u32 $0x1, s6  }
0x7: {  	[smem:$0x7FF] =	sst s4;
	s8 =	sshll.u32 s1, $0xB;
	s25 =	smul.u32 $0x50000, s1  }
0x8: {  	s31 =	sshll.u32 s1, $0x6;
	s9 =	smul.u32 $0x140000, s6;
	_ =	strace $0x80000047  }
0x9: {  	s8 =	sadd.s32 s8, s5;
	s11 =	ssub.s32 $0x2, s6;
	s6 =	sshll.u32 s6, $0xF  }
0xa: {  	s10 =	sshrl.u32 s7, $0x3;
	s26 =	sshrl.u32 s11, $0x1;
	s28 =	sshrl.u32 s25, $0x2  }
0xb: {  	s8 =	sadd.s32 s6, s8;
	s6 =	sor.u32 $0x1C01, s31;
	s7 =	sadd.s32 s7, s9  }
0xc: {  	s10 =	sadd.s32 s10, s5;
	s29 =	ssub.s32 s11, s26;
	s30 =	sadd.s32 s28, s3  }
0xd: {  	s11 =	simm.s32 $0x1;
	s7 =	sshrl.u32 s7, $0x3;
	s9 =	smax.u32 s29, $0x1  }
0xe: {  	s12 =	sadd.s32 s7, s5;
	s5 =	sadd.s32 $0x12A00, s10;
	s7 =	sadd.s32 $0x2A00, s8  }
0xf: {  	s10 =	sshrl.u32 s30, $0x3;
	s8 =	sadd.s32 $0x3AA00, s12;
	s12 =	simm.s32 $0x4000  }
.LBB2_1:
0x10: {  	[spmem:s10], [sflag:s6] =	dma.local [hbm:s5], $0x2800  }
0x11: {  	_ =	swait.ge [sflag:s11], $0x2800  }
0x12: {  	[sflag:s11] =	ssyncset.done $0x0  }
0x13: {  	[sflag:s11] =	ssyncadd.s32 $0xFFFFD800  }
0x14: {  	[tilespmem:s4], [sflag:$0x1] =	stream.linear.gather [hbm4b:s7+s4], $0x3E80, $0x38;
	[tilespmem:$0x1A800] =	vst v63  }
0x15: {  	_ =	swait.ge [sflag:s11], $0x3E80  }
0x16: {  	[sflag:s11] =	ssyncset.done $0x0  }
0x17: {  	[sflag:s11] =	ssyncadd.s32 $0xFFFFC180  }
0x18: {  	[tilespmem:s12], [sflag:$0x1] =	stream.linear.gather [hbm4b:s2+s4], $0x2800, $0x38;
	[tilespmem:$0x1A800] =	vst v63  }
0x19: {  	_ =	swait.ge [sflag:s11], $0x2800  }
0x1a: {  	[sflag:s11] =	ssyncset.done $0x0  }
0x1b: {  	[sflag:s11] =	ssyncadd.s32 $0xFFFFD800  }
0x1c: {  	s15 =	simm.s32 $0x0;
	[bflag:$0x0] =	sbarrier.arrive $0xFFFF  }
0x1d: {  	[spmem:s3] =	stream.indirect.scatter.add.f32 [tilespmem:s12], [sflag:$0x1], $0x80, s15, s13, $0xb8;
	[tilespmem:$0x1A800] =	vst v63  }
0x1e: {  	_ =	swait.ge [sflag:s11], $0x2800  }
0x1f: {  	s15 =	simm.s32 $0x200;
	[sflag:s11] =	ssyncset.done $0x0  }
.LBB2_2:
0x20: {  	s16 =	sshra.s32 s15, $0x2;
	[sflag:s11] =	ssyncadd.s32 $0xFFFFD800;
	p0 =	sne.s32 s15, $0xF800  }
0x21: {  	[spmem:s3] =	stream.indirect.scatter.add.f32 [tilespmem:s12], [sflag:$0x1], $0x80, s16, s13, $0xb8;
	[tilespmem:$0x1A800] =	vst v63  }
.Ltmp0:
0x22: {  	_ = 	snop;
	(pc) =	sbr.rel @p0 .LBB2_2-.Ltmp0, $4  }
0x23: {  	_ = 	snop  }
0x24: {  	s15 =	sadd.s32 $0x200, s15  }
0x25: {  	_ =	swait.ge [sflag:s11], $0x2800  }
0x26: {  	[sflag:s11] =	ssyncset.done $0x0  }
0x27: {  	s14 =	sadd.s32 $0x1, s14  }
0x28: {  	[sflag:s11] =	ssyncadd.s32 $0xFFFFD800;
	p0 =	sne.s32 s14, s9  }
.Ltmp1:
0x29: {  	[bflag:$0x0] =	sbarrier.arrive $0xFFFF;
	(pc) =	sbr.rel @p0 .LBB2_1-.Ltmp1, $4  }
0x2a: {  	[hbm:s8], [sflag:s6] =	dma.local [spmem:s10], $0x2800  }
0x2b: {  	_ =	swait.ge [sflag:s11], $0x2800  }
0x2c: {  	[sflag:s11] =	ssyncset.done $0x0  }
0x2d: {  	[sflag:s11] =	ssyncadd.s32 $0xFFFFD800  }
0x2e: {  	_ =	sfence.sel $0x180000  }
0x2f: {  	[bflag:$0x0] =	sbarrier.arrive $0xFFFF  }
0x30: {  	p0 =	sne.s32 s1, $0x0;
	_ =	strace $0x90000047  }
0x31: {  	s0 =	sadd.s32 @!p0 $0x100000, s0;
	[bflag:$0x2] =	sbarrier.arrive $0xFFFF  }
0x32: {  	[sflag:s0] =	ssyncadd.tile.s32 @!p0 $0x1;
	_ =	shalt  }
.Lfunc_end2:
_tile_overlayer_lowered:
.L_overlay_start_2:
0x33: {  	(tag) =	ssettag $0x2  }
0x34: {  	s0 =	rddreg [dreg:$0x0];
	s2 =	stileid.u32  }
0x35: {  	s1 =	rddreg [dreg:$0x1];
	p0 =	sne.s32 s2, $0x0  }
0x36: {  	s3 =	rddreg [dreg:$0x2];
	[bflag:$0x3] =	sbarrier.arrive $0xFFFF;
	s2 =	simm.s32 @!p0 $0x1C01  }
0x37: {  	[timem:s3], [sflag:s2] =	dma.local @!p0 [hbm:s0], s1  }
0x38: {  	s0 =	simm.s32 @!p0 $0x1  }
0x39: {  	_ =	swait.ge @!p0 [sflag:s0], s1  }
0x3a: {  	s1 =	ssub.s32 @!p0 $0x0, s1;
	[sflag:s0] =	ssyncset.done @!p0 $0x0  }
0x3b: {  	[sflag:s0] =	ssyncadd.s32 @!p0 s1  }
0x3c: {  	[bflag:$0x3] =	sbarrier.arrive $0xFFFF  }
0x3d: {  	_ =	shalt  }

</sc_bundles>
